<compile_context>
chip_gen: v7x
topology: tpu7x:2x2x1
jax: 0.10.2.dev20260603
libtpu: 0.0.44.dev20260713+nightly
codegen_flags: <defaults>
</compile_context>

<pallas_src>
import functools

import jax
import jax.numpy as jnp
from jax import lax
from jax.experimental import pallas as pl
from jax.experimental.pallas import tpu as pltpu
from jax.experimental.pallas import tpu_sc as plsc

_N = 100000
_B = 64
_C_IN = 256
_C_MID = 256
_C_OUT = 512

_NW = 32
_CHUNK = 3136
_NPAD = _NW * _CHUNK
_SCAT = 112
_NSTREAM = _CHUNK // _SCAT

_BLK = 2000
_NB = _N // _BLK


@functools.cache
def _make_sc_centers():
    mesh = plsc.VectorSubcoreMesh(core_axis_name="c", subcore_axis_name="s")

    @functools.partial(
        pl.kernel,
        out_type=jax.ShapeDtypeStruct((2, _B, 4), jnp.float32),
        mesh=mesh,
        scratch_types=[
            pltpu.VMEM((_CHUNK, 4), jnp.float32),
            pltpu.VMEM((_NSTREAM, _SCAT), jnp.int32),
            pltpu.VMEM((_B, 4), jnp.float32),
            pltpu.VMEM_SHARED((_B, 4), jnp.float32),
            pltpu.SemaphoreType.DMA,
        ],
        compiler_params=pltpu.CompilerParams(use_tc_tiling_on_sc=False),
    )
    def sc_centers(p4_hbm, idx_hbm, zero_hbm, out_hbm,
                   rows_v, idx_v, tmp_v, acc_sh, sem):
        cid = lax.axis_index("c")
        sid = lax.axis_index("s")
        wid = cid * 16 + sid
        cp_rows = pltpu.async_copy(
            p4_hbm.at[pl.ds(wid * _CHUNK, _CHUNK)], rows_v, sem)
        cp_idx = pltpu.async_copy(idx_hbm.at[wid], idx_v, sem)

        @pl.when(sid == 0)
        def _init():
            pltpu.sync_copy(zero_hbm, tmp_v)
            pltpu.sync_copy(tmp_v, acc_sh)

        cp_rows.wait()
        cp_idx.wait()
        plsc.subcore_barrier()
        for j in range(_NSTREAM):
            pltpu.sync_copy(
                rows_v.at[pl.ds(j * _SCAT, _SCAT)],
                acc_sh.at[idx_v.at[j]],
                add=True,
            )
        plsc.subcore_barrier()

        @pl.when(sid == 0)
        def _emit():
            pltpu.sync_copy(acc_sh, tmp_v)
            pltpu.sync_copy(tmp_v, out_hbm.at[cid])

    return sc_centers


def _tc_body(parts_ref, post_ref, f_ref, bcf_ref, bsm_ref, wlf_ref, wlp_ref,
             bl_ref, wg_ref, bg_ref, eps_ref, z_ref, mu_ref, sig_ref,
             acc_ref, cproj_ref):
    i = pl.program_id(0)

    @pl.when(i == 0)
    def _setup():
        p = parts_ref[0] + parts_ref[1]
        counts = p[:, 3:4]
        cent = p[:, 0:3] / jnp.maximum(counts, 1.0)
        cproj_ref[...] = jnp.dot(cent, wlp_ref[...],
                                 preferred_element_type=jnp.float32)
        acc_ref[...] = jnp.zeros((_B, _C_MID), jnp.float32)

    raw = (jnp.dot(f_ref[...], wlf_ref[...],
                   preferred_element_type=jnp.float32)
           + lax.dot_general(post_ref[:, 0, 0, :], wlp_ref[...],
                             (((0,), (0,)), ((), ())),
                             preferred_element_type=jnp.float32))
    bvec = bl_ref[...]
    b_col = bcf_ref[0].T
    s_lo = bsm_ref[0, 0, 0]
    s_hi = bsm_ref[0, 0, _BLK - 1]
    seg = lax.broadcasted_iota(jnp.int32, (_B, 1), 0)

    def body(s, acc):
        row = cproj_ref[pl.ds(s, 1), :]
        msg = jnp.maximum(raw + (bvec - row), 0.0)
        msg = jnp.where(b_col == s.astype(jnp.float32), msg, 0.0)
        colmax = jnp.max(msg, axis=0, keepdims=True)
        return jnp.maximum(acc, jnp.where(seg == s, colmax, 0.0))

    acc_ref[...] = lax.fori_loop(s_lo, s_hi + 1, body, acc_ref[...])

    @pl.when(i == _NB - 1)
    def _head():
        out = jnp.dot(acc_ref[...], wg_ref[...],
                      preferred_element_type=jnp.float32) + bg_ref[...]
        mu = out[:, 0:_C_MID]
        sig = jax.nn.softplus(out[:, _C_MID:_C_OUT]) + 1e-4
        mu_ref[...] = mu
        sig_ref[...] = sig
        z_ref[...] = mu + sig * eps_ref[...]


def _tc_forward(parts, post, feature, batch_i32, W_local, b_local, W_global,
                b_global, eps):
    wlf = W_local[:_C_IN]
    wlp = W_local[_C_IN:]
    bcf = batch_i32.astype(jnp.float32).reshape(_NB, 1, _BLK)
    b3 = batch_i32.reshape(_NB, 1, _BLK)
    oshape = jax.ShapeDtypeStruct((_B, _C_MID), jnp.float32)
    return pl.pallas_call(
        _tc_body,
        grid=(_NB,),
        in_specs=[
            pl.BlockSpec((2, _B, 4), lambda i: (0, 0, 0)),
            pl.BlockSpec((3, 1, 1, _BLK), lambda i: (0, i, 0, 0)),
            pl.BlockSpec((_BLK, _C_IN), lambda i: (i, 0)),
            pl.BlockSpec((1, 1, _BLK), lambda i: (i, 0, 0)),
            pl.BlockSpec((1, 1, _BLK), lambda i: (i, 0, 0),
                         memory_space=pltpu.SMEM),
            pl.BlockSpec((_C_IN, _C_MID), lambda i: (0, 0)),
            pl.BlockSpec((3, _C_MID), lambda i: (0, 0)),
            pl.BlockSpec((1, _C_MID), lambda i: (0, 0)),
            pl.BlockSpec((_C_MID, _C_OUT), lambda i: (0, 0)),
            pl.BlockSpec((1, _C_OUT), lambda i: (0, 0)),
            pl.BlockSpec((_B, _C_MID), lambda i: (0, 0)),
        ],
        out_specs=[
            pl.BlockSpec((_B, _C_MID), lambda i: (0, 0)),
            pl.BlockSpec((_B, _C_MID), lambda i: (0, 0)),
            pl.BlockSpec((_B, _C_MID), lambda i: (0, 0)),
        ],
        out_shape=[oshape, oshape, oshape],
        scratch_shapes=[
            pltpu.VMEM((_B, _C_MID), jnp.float32),
            pltpu.VMEM((_B, _C_MID), jnp.float32),
        ],
        compiler_params=pltpu.CompilerParams(
            dimension_semantics=("arbitrary",),
        ),
    )(parts, post, feature, bcf, b3, wlf, wlp, b_local.reshape(1, _C_MID),
      W_global, b_global.reshape(1, _C_OUT), eps)


def kernel(pos, feature, batch, W_local, b_local, W_global, b_global):
    batch_i32 = batch.astype(jnp.int32)
    post = pos.T
    p4 = jnp.pad(jnp.concatenate(
        [pos, jnp.ones((_N, 1), jnp.float32)], axis=1),
        ((0, _NPAD - _N), (0, 0)))
    idx3 = jnp.pad(batch_i32, (0, _NPAD - _N)).reshape(_NW, _NSTREAM, _SCAT)
    zero = jnp.zeros((_B, 4), jnp.float32)
    parts = _make_sc_centers()(p4, idx3, zero)

    eps = jax.random.normal(jax.random.key(42), (_B, _C_MID), jnp.float32)
    z, mu, sig = _tc_forward(parts,
                             post.reshape(3, _NB, 1, _BLK), feature,
                             batch_i32, W_local, b_local, W_global,
                             b_global, eps)
    return (z, mu, sig, jnp.arange(_B, dtype=jnp.int32))

# --- scband reference (transcript-rebuilt; emitter-appended) ---
"""Pipeline reference for scband-coarse-encoder-15470472200216 (READ-ONLY COPY).

The authoritative reference and input builder live on the scoring server;
editing this copy changes nothing except your own understanding.
"""

import jax, jax.numpy as jnp
import numpy as np

N = 100000
B = 64
C_IN = 256
C_MID = 256
C_OUT = 512


def setup_inputs(seed: int = 0) -> dict:
    key = jax.random.key(seed)
    k1, k2, k3, k4, k5 = jax.random.split(key, 5)
    pos = jax.random.normal(k1, (N, 3), dtype=jnp.float32)
    feature = jax.random.normal(k2, (N, C_IN), dtype=jnp.float32)
    batch = jnp.sort(jax.random.randint(k3, (N,), 0, B, dtype=jnp.int64))
    # PointConv (PointNetConv-style) parameters: local_nn Linear(c_in+3 -> c_mid), global_nn Linear(c_mid -> c_out)
    W_local = jax.random.normal(k4, (C_IN + 3, C_MID), dtype=jnp.float32) * 0.02
    b_local = jnp.zeros((C_MID,), dtype=jnp.float32)
    W_global = jax.random.normal(k5, (C_MID, C_OUT), dtype=jnp.float32) * 0.02
    b_global = jnp.zeros((C_OUT,), dtype=jnp.float32)
    return {"pos": pos, "feature": feature, "batch": batch,
            "W_local": W_local, "b_local": b_local,
            "W_global": W_global, "b_global": b_global}


def to_sigma(x):
    return jax.nn.softplus(x) + 1e-4


def reference(pos, feature, batch, W_local, b_local, W_global, b_global):
    batch = batch.astype(jnp.int32)
    n = pos.shape[0]
    # scatter_mean(pos, batch, dim=0) -> per-cloud center
    ones = jnp.ones((n,), dtype=pos.dtype)
    counts = jax.ops.segment_sum(ones, batch, num_segments=B)
    pos_sum = jax.ops.segment_sum(pos, batch, num_segments=B)
    pos_center = pos_sum / jnp.maximum(counts, 1.0)[:, None]
    # PointConv with in_index = arange(N), out_index = batch:
    # message_j = relu(local_nn([x_j, pos_j - pos_center[batch_j]]))
    rel = pos - jnp.take(pos_center, batch, axis=0)  # gather
    msg = jnp.concatenate([feature, rel], axis=1) @ W_local + b_local
    msg = jax.nn.relu(msg)
    # max aggregation per destination center (scatter-max)
    agg = jax.ops.segment_max(msg, batch, num_segments=B)
    agg = jnp.where(counts[:, None] > 0, agg, 0.0)
    out = agg @ W_global + b_global  # global_nn
    mu, sigma = jnp.split(out, 2, axis=1)
    sig = to_sigma(sigma)
    eps = jax.random.normal(jax.random.key(42), mu.shape, dtype=mu.dtype)
    z_what_coarse = mu + sig * eps  # Normal.rsample()
    pos_center_batch = jnp.arange(B, dtype=jnp.int64)
    return (z_what_coarse, mu, sig, pos_center_batch)

if __name__ == "__main__":
    import jax
    _d = setup_inputs()
    print(jax.jit(kernel)(*tuple(_d.values())))

</pallas_src>

<mosaic_0001>
#map = affine_map<(d0, d1) -> (0, 0)>
#map1 = affine_map<(d0, d1) -> (0, 0, 0)>
module attributes {stable_mosaic.version = 14 : i64} {
  func.func @sc_centers(%arg0: i32, %arg1: i32, %arg2: memref<100352x4xf32, #tpu.memory_space<hbm>>, %arg3: memref<32x28x112xi32, #tpu.memory_space<hbm>>, %arg4: memref<64x4xf32, #tpu.memory_space<hbm>>, %arg5: memref<2x64x4xf32, #tpu.memory_space<hbm>>, %arg6: memref<3136x4xf32, #tpu.memory_space<vmem>>, %arg7: memref<28x112xi32, #tpu.memory_space<vmem>>, %arg8: memref<64x4xf32, #tpu.memory_space<vmem>>, %arg9: memref<64x4xf32, #tpu.memory_space<vmem_shared>>, %arg10: memref<!tpu.dma_semaphore, #tpu.memory_space<semaphore_mem>>) attributes {dimension_semantics = [#tpu.dimension_semantics<core_parallel>, #tpu.dimension_semantics<subcore_parallel>], iteration_bounds = array<i64: 2, 16>, scalar_prefetch = 0 : i64, scratch_operands = 5 : i64, tpu.core_type = #tpu.core_type<sc_vector_subcore>, window_params = [{transform_indices = #map}, {transform_indices = #map1}, {transform_indices = #map}, {transform_indices = #map1}]} {
    %mul3A = arith.constant 16 : i32
    %mul3A_0 = arith.muli %arg0, %mul3A : i32
    %add3A = arith.addi %mul3A_0, %arg1 : i32
    %mul3A_1 = arith.constant 3136 : i32
    %mul3A_2 = arith.muli %add3A, %mul3A_1 : i32
    %dma_start3A = arith.constant 0 : i32
    %dma_start3A_3 = tpu.memref_slice %arg2[%mul3A_2, %dma_start3A] : memref<100352x4xf32, #tpu.memory_space<hbm>> -> memref<3136x4xf32, #tpu.memory_space<hbm>>
    %dma_start3A_4 = arith.constant 0 : i32
    %dma_start3A_5 = tpu.memref_slice %arg2[%mul3A_2, %dma_start3A_4] : memref<100352x4xf32, #tpu.memory_space<hbm>> -> memref<3136x4xf32, #tpu.memory_space<hbm>>
    tpu.enqueue_dma source(%dma_start3A_5 : memref<3136x4xf32, #tpu.memory_space<hbm>>) target(%arg6 : memref<3136x4xf32, #tpu.memory_space<vmem>>) target_semaphore(%arg10 : memref<!tpu.dma_semaphore, #tpu.memory_space<semaphore_mem>>)
    %dma_start3A_6 = arith.constant 0 : i32
    %dma_start3A_7 = arith.constant 0 : i32
    %dma_start3A_8 = tpu.memref_slice %arg3[%add3A, %dma_start3A_6, %dma_start3A_7] : memref<32x28x112xi32, #tpu.memory_space<hbm>> -> memref<1x28x112xi32, #tpu.memory_space<hbm>>
    %dma_start3A_9 = tpu.memref_squeeze %dma_start3A_8 : memref<1x28x112xi32, #tpu.memory_space<hbm>> -> memref<28x112xi32, #tpu.memory_space<hbm>>
    %dma_start3A_10 = arith.constant 0 : i32
    %dma_start3A_11 = arith.constant 0 : i32
    %dma_start3A_12 = tpu.memref_slice %arg3[%add3A, %dma_start3A_10, %dma_start3A_11] : memref<32x28x112xi32, #tpu.memory_space<hbm>> -> memref<1x28x112xi32, #tpu.memory_space<hbm>>
    %dma_start3A_13 = tpu.memref_squeeze %dma_start3A_12 : memref<1x28x112xi32, #tpu.memory_space<hbm>> -> memref<28x112xi32, #tpu.memory_space<hbm>>
    tpu.enqueue_dma source(%dma_start3A_13 : memref<28x112xi32, #tpu.memory_space<hbm>>) target(%arg7 : memref<28x112xi32, #tpu.memory_space<vmem>>) target_semaphore(%arg10 : memref<!tpu.dma_semaphore, #tpu.memory_space<semaphore_mem>>)
    %eq3A = arith.constant 0 : i32
    %eq3A_14 = arith.cmpi eq, %arg1, %eq3A : i32
    %convert_element_type3A = arith.extui %eq3A_14 : i1 to i32
    %cond3A = arith.constant 0 : i32
    %cond3A_15 = arith.cmpi ne, %convert_element_type3A, %cond3A : i32
    scf.if %cond3A_15 {
      "tpu.region"() ({
        %run_scoped3A_60 = tpu.sem_alloc : memref<!tpu.dma_semaphore, #tpu.memory_space<semaphore_mem>>
        tpu.enqueue_dma source(%arg4 : memref<64x4xf32, #tpu.memory_space<hbm>>) target(%arg8 : memref<64x4xf32, #tpu.memory_space<vmem>>) target_semaphore(%run_scoped3A_60 : memref<!tpu.dma_semaphore, #tpu.memory_space<semaphore_mem>>)
        tpu.wait_dma2 semaphore(%run_scoped3A_60 : memref<!tpu.dma_semaphore, #tpu.memory_space<semaphore_mem>>) src(%arg4 : memref<64x4xf32, #tpu.memory_space<hbm>>) dst(%arg8 : memref<64x4xf32, #tpu.memory_space<vmem>>)
        tpu.yield
      }) : () -> ()
      "tpu.region"() ({
        %run_scoped3A_60 = tpu.sem_alloc : memref<!tpu.dma_semaphore, #tpu.memory_space<semaphore_mem>>
        tpu.enqueue_dma source(%arg8 : memref<64x4xf32, #tpu.memory_space<vmem>>) target(%arg9 : memref<64x4xf32, #tpu.memory_space<vmem_shared>>) target_semaphore(%run_scoped3A_60 : memref<!tpu.dma_semaphore, #tpu.memory_space<semaphore_mem>>)
        tpu.wait_dma2 semaphore(%run_scoped3A_60 : memref<!tpu.dma_semaphore, #tpu.memory_space<semaphore_mem>>) src(%arg8 : memref<64x4xf32, #tpu.memory_space<vmem>>) dst(%arg9 : memref<64x4xf32, #tpu.memory_space<vmem_shared>>)
        tpu.yield
      }) : () -> ()
    } else {
    }
    %dma_wait3A = arith.constant 0 : i32
    %dma_wait3A_16 = tpu.memref_slice %arg2[%mul3A_2, %dma_wait3A] : memref<100352x4xf32, #tpu.memory_space<hbm>> -> memref<3136x4xf32, #tpu.memory_space<hbm>>
    %dma_wait3A_17 = arith.constant 0 : i32
    %dma_wait3A_18 = tpu.memref_slice %arg2[%mul3A_2, %dma_wait3A_17] : memref<100352x4xf32, #tpu.memory_space<hbm>> -> memref<3136x4xf32, #tpu.memory_space<hbm>>
    tpu.wait_dma2 semaphore(%arg10 : memref<!tpu.dma_semaphore, #tpu.memory_space<semaphore_mem>>) src(%dma_wait3A_18 : memref<3136x4xf32, #tpu.memory_space<hbm>>) dst(%arg6 : memref<3136x4xf32, #tpu.memory_space<vmem>>)
    %dma_wait3A_19 = arith.constant 0 : i32
    %dma_wait3A_20 = arith.constant 0 : i32
    %dma_wait3A_21 = tpu.memref_slice %arg3[%add3A, %dma_wait3A_19, %dma_wait3A_20] : memref<32x28x112xi32, #tpu.memory_space<hbm>> -> memref<1x28x112xi32, #tpu.memory_space<hbm>>
    %dma_wait3A_22 = tpu.memref_squeeze %dma_wait3A_21 : memref<1x28x112xi32, #tpu.memory_space<hbm>> -> memref<28x112xi32, #tpu.memory_space<hbm>>
    %dma_wait3A_23 = arith.constant 0 : i32
    %dma_wait3A_24 = arith.constant 0 : i32
    %dma_wait3A_25 = tpu.memref_slice %arg3[%add3A, %dma_wait3A_23, %dma_wait3A_24] : memref<32x28x112xi32, #tpu.memory_space<hbm>> -> memref<1x28x112xi32, #tpu.memory_space<hbm>>
    %dma_wait3A_26 = tpu.memref_squeeze %dma_wait3A_25 : memref<1x28x112xi32, #tpu.memory_space<hbm>> -> memref<28x112xi32, #tpu.memory_space<hbm>>
    tpu.wait_dma2 semaphore(%arg10 : memref<!tpu.dma_semaphore, #tpu.memory_space<semaphore_mem>>) src(%dma_wait3A_26 : memref<28x112xi32, #tpu.memory_space<hbm>>) dst(%arg7 : memref<28x112xi32, #tpu.memory_space<vmem>>)
    %barrier3A = arith.constant 0 : index
    tpu.barrier barrier_id(%barrier3A)
    %run_scoped3A = arith.constant 0 : i32
    "tpu.region"() ({
      %run_scoped3A_60 = tpu.sem_alloc : memref<!tpu.dma_semaphore, #tpu.memory_space<semaphore_mem>>
      %dma_start3A_61 = arith.constant 0 : i32
      %dma_start3A_62 = arith.constant 0 : i32
      %dma_start3A_63 = tpu.memref_slice %arg6[%dma_start3A_61, %dma_start3A_62] : memref<3136x4xf32, #tpu.memory_space<vmem>> -> memref<112x4xf32, #tpu.memory_space<vmem>>
      %dma_start3A_64 = arith.constant 0 : i32
      %dma_start3A_65 = tpu.memref_slice %arg7[%run_scoped3A, %dma_start3A_64] : memref<28x112xi32, #tpu.memory_space<vmem>> -> memref<1x112xi32, #tpu.memory_space<vmem>>
      %dma_start3A_66 = tpu.memref_squeeze %dma_start3A_65 : memref<1x112xi32, #tpu.memory_space<vmem>> -> memref<112xi32, #tpu.memory_space<vmem>>
      %dma_start3A_67 = arith.constant 0 : i32
      %dma_start3A_68 = arith.constant 0 : i32
      %dma_start3A_69 = tpu.memref_slice %arg9[%dma_start3A_67, %dma_start3A_68] : memref<64x4xf32, #tpu.memory_space<vmem_shared>> -> memref<64x4xf32, #tpu.memory_space<vmem_shared>>
      tpu.enqueue_indirect_dma source(%dma_start3A_63 : memref<112x4xf32, #tpu.memory_space<vmem>>) target(%dma_start3A_69 : memref<64x4xf32, #tpu.memory_space<vmem_shared>>) offsets(%dma_start3A_66 : memref<112xi32, #tpu.memory_space<vmem>>) semaphore(%run_scoped3A_60 : memref<!tpu.dma_semaphore, #tpu.memory_space<semaphore_mem>>) {add = true}
      %dma_wait3A_70 = arith.constant 0 : i32
      %dma_wait3A_71 = arith.constant 0 : i32
      %dma_wait3A_72 = tpu.memref_slice %arg6[%dma_wait3A_70, %dma_wait3A_71] : memref<3136x4xf32, #tpu.memory_space<vmem>> -> memref<112x4xf32, #tpu.memory_space<vmem>>
      %dma_wait3A_73 = arith.constant 0 : i32
      %dma_wait3A_74 = tpu.memref_slice %arg7[%run_scoped3A, %dma_wait3A_73] : memref<28x112xi32, #tpu.memory_space<vmem>> -> memref<1x112xi32, #tpu.memory_space<vmem>>
      %dma_wait3A_75 = tpu.memref_squeeze %dma_wait3A_74 : memref<1x112xi32, #tpu.memory_space<vmem>> -> memref<112xi32, #tpu.memory_space<vmem>>
      %dma_wait3A_76 = arith.constant 0 : i32
      %dma_wait3A_77 = arith.constant 0 : i32
      %dma_wait3A_78 = tpu.memref_slice %arg9[%dma_wait3A_76, %dma_wait3A_77] : memref<64x4xf32, #tpu.memory_space<vmem_shared>> -> memref<64x4xf32, #tpu.memory_space<vmem_shared>>
      tpu.wait_indirect_dma semaphore(%run_scoped3A_60 : memref<!tpu.dma_semaphore, #tpu.memory_space<semaphore_mem>>) src(%dma_wait3A_72 : memref<112x4xf32, #tpu.memory_space<vmem>>) dst(%dma_wait3A_78 : memref<64x4xf32, #tpu.memory_space<vmem_shared>>)
      tpu.yield
    }) : () -> ()
    %run_scoped3A_27 = arith.constant 1 : i32
    "tpu.region"() ({
      %run_scoped3A_60 = tpu.sem_alloc : memref<!tpu.dma_semaphore, #tpu.memory_space<semaphore_mem>>
      %dma_start3A_61 = arith.constant 112 : i32
      %dma_start3A_62 = arith.constant 0 : i32
      %dma_start3A_63 = tpu.memref_slice %arg6[%dma_start3A_61, %dma_start3A_62] : memref<3136x4xf32, #tpu.memory_space<vmem>> -> memref<112x4xf32, #tpu.memory_space<vmem>>
      %dma_start3A_64 = arith.constant 0 : i32
      %dma_start3A_65 = tpu.memref_slice %arg7[%run_scoped3A_27, %dma_start3A_64] : memref<28x112xi32, #tpu.memory_space<vmem>> -> memref<1x112xi32, #tpu.memory_space<vmem>>
      %dma_start3A_66 = tpu.memref_squeeze %dma_start3A_65 : memref<1x112xi32, #tpu.memory_space<vmem>> -> memref<112xi32, #tpu.memory_space<vmem>>
      %dma_start3A_67 = arith.constant 0 : i32
      %dma_start3A_68 = arith.constant 0 : i32
      %dma_start3A_69 = tpu.memref_slice %arg9[%dma_start3A_67, %dma_start3A_68] : memref<64x4xf32, #tpu.memory_space<vmem_shared>> -> memref<64x4xf32, #tpu.memory_space<vmem_shared>>
      tpu.enqueue_indirect_dma source(%dma_start3A_63 : memref<112x4xf32, #tpu.memory_space<vmem>>) target(%dma_start3A_69 : memref<64x4xf32, #tpu.memory_space<vmem_shared>>) offsets(%dma_start3A_66 : memref<112xi32, #tpu.memory_space<vmem>>) semaphore(%run_scoped3A_60 : memref<!tpu.dma_semaphore, #tpu.memory_space<semaphore_mem>>) {add = true}
      %dma_wait3A_70 = arith.constant 112 : i32
      %dma_wait3A_71 = arith.constant 0 : i32
      %dma_wait3A_72 = tpu.memref_slice %arg6[%dma_wait3A_70, %dma_wait3A_71] : memref<3136x4xf32, #tpu.memory_space<vmem>> -> memref<112x4xf32, #tpu.memory_space<vmem>>
      %dma_wait3A_73 = arith.constant 0 : i32
      %dma_wait3A_74 = tpu.memref_slice %arg7[%run_scoped3A_27, %dma_wait3A_73] : memref<28x112xi32, #tpu.memory_space<vmem>> -> memref<1x112xi32, #tpu.memory_space<vmem>>
      %dma_wait3A_75 = tpu.memref_squeeze %dma_wait3A_74 : memref<1x112xi32, #tpu.memory_space<vmem>> -> memref<112xi32, #tpu.memory_space<vmem>>
      %dma_wait3A_76 = arith.constant 0 : i32
      %dma_wait3A_77 = arith.constant 0 : i32
      %dma_wait3A_78 = tpu.memref_slice %arg9[%dma_wait3A_76, %dma_wait3A_77] : memref<64x4xf32, #tpu.memory_space<vmem_shared>> -> memref<64x4xf32, #tpu.memory_space<vmem_shared>>
      tpu.wait_indirect_dma semaphore(%run_scoped3A_60 : memref<!tpu.dma_semaphore, #tpu.memory_space<semaphore_mem>>) src(%dma_wait3A_72 : memref<112x4xf32, #tpu.memory_space<vmem>>) dst(%dma_wait3A_78 : memref<64x4xf32, #tpu.memory_space<vmem_shared>>)
      tpu.yield
    }) : () -> ()
    %run_scoped3A_28 = arith.constant 2 : i32
    "tpu.region"() ({
      %run_scoped3A_60 = tpu.sem_alloc : memref<!tpu.dma_semaphore, #tpu.memory_space<semaphore_mem>>
      %dma_start3A_61 = arith.constant 224 : i32
      %dma_start3A_62 = arith.constant 0 : i32
      %dma_start3A_63 = tpu.memref_slice %arg6[%dma_start3A_61, %dma_start3A_62] : memref<3136x4xf32, #tpu.memory_space<vmem>> -> memref<112x4xf32, #tpu.memory_space<vmem>>
      %dma_start3A_64 = arith.constant 0 : i32
      %dma_start3A_65 = tpu.memref_slice %arg7[%run_scoped3A_28, %dma_start3A_64] : memref<28x112xi32, #tpu.memory_space<vmem>> -> memref<1x112xi32, #tpu.memory_space<vmem>>
      %dma_start3A_66 = tpu.memref_squeeze %dma_start3A_65 : memref<1x112xi32, #tpu.memory_space<vmem>> -> memref<112xi32, #tpu.memory_space<vmem>>
      %dma_start3A_67 = arith.constant 0 : i32
      %dma_start3A_68 = arith.constant 0 : i32
      %dma_start3A_69 = tpu.memref_slice %arg9[%dma_start3A_67, %dma_start3A_68] : memref<64x4xf32, #tpu.memory_space<vmem_shared>> -> memref<64x4xf32, #tpu.memory_space<vmem_shared>>
      tpu.enqueue_indirect_dma source(%dma_start3A_63 : memref<112x4xf32, #tpu.memory_space<vmem>>) target(%dma_start3A_69 : memref<64x4xf32, #tpu.memory_space<vmem_shared>>) offsets(%dma_start3A_66 : memref<112xi32, #tpu.memory_space<vmem>>) semaphore(%run_scoped3A_60 : memref<!tpu.dma_semaphore, #tpu.memory_space<semaphore_mem>>) {add = true}
      %dma_wait3A_70 = arith.constant 224 : i32
      %dma_wait3A_71 = arith.constant 0 : i32
      %dma_wait3A_72 = tpu.memref_slice %arg6[%dma_wait3A_70, %dma_wait3A_71] : memref<3136x4xf32, #tpu.memory_space<vmem>> -> memref<112x4xf32, #tpu.memory_space<vmem>>
      %dma_wait3A_73 = arith.constant 0 : i32
      %dma_wait3A_74 = tpu.memref_slice %arg7[%run_scoped3A_28, %dma_wait3A_73] : memref<28x112xi32, #tpu.memory_space<vmem>> -> memref<1x112xi32, #tpu.memory_space<vmem>>
      %dma_wait3A_75 = tpu.memref_squeeze %dma_wait3A_74 : memref<1x112xi32, #tpu.memory_space<vmem>> -> memref<112xi32, #tpu.memory_space<vmem>>
      %dma_wait3A_76 = arith.constant 0 : i32
      %dma_wait3A_77 = arith.constant 0 : i32
      %dma_wait3A_78 = tpu.memref_slice %arg9[%dma_wait3A_76, %dma_wait3A_77] : memref<64x4xf32, #tpu.memory_space<vmem_shared>> -> memref<64x4xf32, #tpu.memory_space<vmem_shared>>
      tpu.wait_indirect_dma semaphore(%run_scoped3A_60 : memref<!tpu.dma_semaphore, #tpu.memory_space<semaphore_mem>>) src(%dma_wait3A_72 : memref<112x4xf32, #tpu.memory_space<vmem>>) dst(%dma_wait3A_78 : memref<64x4xf32, #tpu.memory_space<vmem_shared>>)
      tpu.yield
    }) : () -> ()
    %run_scoped3A_29 = arith.constant 3 : i32
    "tpu.region"() ({
      %run_scoped3A_60 = tpu.sem_alloc : memref<!tpu.dma_semaphore, #tpu.memory_space<semaphore_mem>>
      %dma_start3A_61 = arith.constant 336 : i32
      %dma_start3A_62 = arith.constant 0 : i32
      %dma_start3A_63 = tpu.memref_slice %arg6[%dma_start3A_61, %dma_start3A_62] : memref<3136x4xf32, #tpu.memory_space<vmem>> -> memref<112x4xf32, #tpu.memory_space<vmem>>
      %dma_start3A_64 = arith.constant 0 : i32
      %dma_start3A_65 = tpu.memref_slice %arg7[%run_scoped3A_29, %dma_start3A_64] : memref<28x112xi32, #tpu.memory_space<vmem>> -> memref<1x112xi32, #tpu.memory_space<vmem>>
      %dma_start3A_66 = tpu.memref_squeeze %dma_start3A_65 : memref<1x112xi32, #tpu.memory_space<vmem>> -> memref<112xi32, #tpu.memory_space<vmem>>
      %dma_start3A_67 = arith.constant 0 : i32
      %dma_start3A_68 = arith.constant 0 : i32
      %dma_start3A_69 = tpu.memref_slice %arg9[%dma_start3A_67, %dma_start3A_68] : memref<64x4xf32, #tpu.memory_space<vmem_shared>> -> memref<64x4xf32, #tpu.memory_space<vmem_shared>>
      tpu.enqueue_indirect_dma source(%dma_start3A_63 : memref<112x4xf32, #tpu.memory_space<vmem>>) target(%dma_start3A_69 : memref<64x4xf32, #tpu.memory_space<vmem_shared>>) offsets(%dma_start3A_66 : memref<112xi32, #tpu.memory_space<vmem>>) semaphore(%run_scoped3A_60 : memref<!tpu.dma_semaphore, #tpu.memory_space<semaphore_mem>>) {add = true}
      %dma_wait3A_70 = arith.constant 336 : i32
      %dma_wait3A_71 = arith.constant 0 : i32
      %dma_wait3A_72 = tpu.memref_slice %arg6[%dma_wait3A_70, %dma_wait3A_71] : memref<3136x4xf32, #tpu.memory_space<vmem>> -> memref<112x4xf32, #tpu.memory_space<vmem>>
      %dma_wait3A_73 = arith.constant 0 : i32
      %dma_wait3A_74 = tpu.memref_slice %arg7[%run_scoped3A_29, %dma_wait3A_73] : memref<28x112xi32, #tpu.memory_space<vmem>> -> memref<1x112xi32, #tpu.memory_space<vmem>>
      %dma_wait3A_75 = tpu.memref_squeeze %dma_wait3A_74 : memref<1x112xi32, #tpu.memory_space<vmem>> -> memref<112xi32, #tpu.memory_space<vmem>>
      %dma_wait3A_76 = arith.constant 0 : i32
      %dma_wait3A_77 = arith.constant 0 : i32
      %dma_wait3A_78 = tpu.memref_slice %arg9[%dma_wait3A_76, %dma_wait3A_77] : memref<64x4xf32, #tpu.memory_space<vmem_shared>> -> memref<64x4xf32, #tpu.memory_space<vmem_shared>>
      tpu.wait_indirect_dma semaphore(%run_scoped3A_60 : memref<!tpu.dma_semaphore, #tpu.memory_space<semaphore_mem>>) src(%dma_wait3A_72 : memref<112x4xf32, #tpu.memory_space<vmem>>) dst(%dma_wait3A_78 : memref<64x4xf32, #tpu.memory_space<vmem_shared>>)
      tpu.yield
    }) : () -> ()
    %run_scoped3A_30 = arith.constant 4 : i32
    "tpu.region"() ({
      %run_scoped3A_60 = tpu.sem_alloc : memref<!tpu.dma_semaphore, #tpu.memory_space<semaphore_mem>>
      %dma_start3A_61 = arith.constant 448 : i32
      %dma_start3A_62 = arith.constant 0 : i32
      %dma_start3A_63 = tpu.memref_slice %arg6[%dma_start3A_61, %dma_start3A_62] : memref<3136x4xf32, #tpu.memory_space<vmem>> -> memref<112x4xf32, #tpu.memory_space<vmem>>
      %dma_start3A_64 = arith.constant 0 : i32
      %dma_start3A_65 = tpu.memref_slice %arg7[%run_scoped3A_30, %dma_start3A_64] : memref<28x112xi32, #tpu.memory_space<vmem>> -> memref<1x112xi32, #tpu.memory_space<vmem>>
      %dma_start3A_66 = tpu.memref_squeeze %dma_start3A_65 : memref<1x112xi32, #tpu.memory_space<vmem>> -> memref<112xi32, #tpu.memory_space<vmem>>
      %dma_start3A_67 = arith.constant 0 : i32
      %dma_start3A_68 = arith.constant 0 : i32
      %dma_start3A_69 = tpu.memref_slice %arg9[%dma_start3A_67, %dma_start3A_68] : memref<64x4xf32, #tpu.memory_space<vmem_shared>> -> memref<64x4xf32, #tpu.memory_space<vmem_shared>>
      tpu.enqueue_indirect_dma source(%dma_start3A_63 : memref<112x4xf32, #tpu.memory_space<vmem>>) target(%dma_start3A_69 : memref<64x4xf32, #tpu.memory_space<vmem_shared>>) offsets(%dma_start3A_66 : memref<112xi32, #tpu.memory_space<vmem>>) semaphore(%run_scoped3A_60 : memref<!tpu.dma_semaphore, #tpu.memory_space<semaphore_mem>>) {add = true}
      %dma_wait3A_70 = arith.constant 448 : i32
      %dma_wait3A_71 = arith.constant 0 : i32
      %dma_wait3A_72 = tpu.memref_slice %arg6[%dma_wait3A_70, %dma_wait3A_71] : memref<3136x4xf32, #tpu.memory_space<vmem>> -> memref<112x4xf32, #tpu.memory_space<vmem>>
      %dma_wait3A_73 = arith.constant 0 : i32
      %dma_wait3A_74 = tpu.memref_slice %arg7[%run_scoped3A_30, %dma_wait3A_73] : memref<28x112xi32, #tpu.memory_space<vmem>> -> memref<1x112xi32, #tpu.memory_space<vmem>>
      %dma_wait3A_75 = tpu.memref_squeeze %dma_wait3A_74 : memref<1x112xi32, #tpu.memory_space<vmem>> -> memref<112xi32, #tpu.memory_space<vmem>>
      %dma_wait3A_76 = arith.constant 0 : i32
      %dma_wait3A_77 = arith.constant 0 : i32
      %dma_wait3A_78 = tpu.memref_slice %arg9[%dma_wait3A_76, %dma_wait3A_77] : memref<64x4xf32, #tpu.memory_space<vmem_shared>> -> memref<64x4xf32, #tpu.memory_space<vmem_shared>>
      tpu.wait_indirect_dma semaphore(%run_scoped3A_60 : memref<!tpu.dma_semaphore, #tpu.memory_space<semaphore_mem>>) src(%dma_wait3A_72 : memref<112x4xf32, #tpu.memory_space<vmem>>) dst(%dma_wait3A_78 : memref<64x4xf32, #tpu.memory_space<vmem_shared>>)
      tpu.yield
    }) : () -> ()
    %run_scoped3A_31 = arith.constant 5 : i32
    "tpu.region"() ({
      %run_scoped3A_60 = tpu.sem_alloc : memref<!tpu.dma_semaphore, #tpu.memory_space<semaphore_mem>>
      %dma_start3A_61 = arith.constant 560 : i32
      %dma_start3A_62 = arith.constant 0 : i32
      %dma_start3A_63 = tpu.memref_slice %arg6[%dma_start3A_61, %dma_start3A_62] : memref<3136x4xf32, #tpu.memory_space<vmem>> -> memref<112x4xf32, #tpu.memory_space<vmem>>
      %dma_start3A_64 = arith.constant 0 : i32
      %dma_start3A_65 = tpu.memref_slice %arg7[%run_scoped3A_31, %dma_start3A_64] : memref<28x112xi32, #tpu.memory_space<vmem>> -> memref<1x112xi32, #tpu.memory_space<vmem>>
      %dma_start3A_66 = tpu.memref_squeeze %dma_start3A_65 : memref<1x112xi32, #tpu.memory_space<vmem>> -> memref<112xi32, #tpu.memory_space<vmem>>
      %dma_start3A_67 = arith.constant 0 : i32
      %dma_start3A_68 = arith.constant 0 : i32
      %dma_start3A_69 = tpu.memref_slice %arg9[%dma_start3A_67, %dma_start3A_68] : memref<64x4xf32, #tpu.memory_space<vmem_shared>> -> memref<64x4xf32, #tpu.memory_space<vmem_shared>>
      tpu.enqueue_indirect_dma source(%dma_start3A_63 : memref<112x4xf32, #tpu.memory_space<vmem>>) target(%dma_start3A_69 : memref<64x4xf32, #tpu.memory_space<vmem_shared>>) offsets(%dma_start3A_66 : memref<112xi32, #tpu.memory_space<vmem>>) semaphore(%run_scoped3A_60 : memref<!tpu.dma_semaphore, #tpu.memory_space<semaphore_mem>>) {add = true}
      %dma_wait3A_70 = arith.constant 560 : i32
      %dma_wait3A_71 = arith.constant 0 : i32
      %dma_wait3A_72 = tpu.memref_slice %arg6[%dma_wait3A_70, %dma_wait3A_71] : memref<3136x4xf32, #tpu.memory_space<vmem>> -> memref<112x4xf32, #tpu.memory_space<vmem>>
      %dma_wait3A_73 = arith.constant 0 : i32
      %dma_wait3A_74 = tpu.memref_slice %arg7[%run_scoped3A_31, %dma_wait3A_73] : memref<28x112xi32, #tpu.memory_space<vmem>> -> memref<1x112xi32, #tpu.memory_space<vmem>>
      %dma_wait3A_75 = tpu.memref_squeeze %dma_wait3A_74 : memref<1x112xi32, #tpu.memory_space<vmem>> -> memref<112xi32, #tpu.memory_space<vmem>>
      %dma_wait3A_76 = arith.constant 0 : i32
      %dma_wait3A_77 = arith.constant 0 : i32
      %dma_wait3A_78 = tpu.memref_slice %arg9[%dma_wait3A_76, %dma_wait3A_77] : memref<64x4xf32, #tpu.memory_space<vmem_shared>> -> memref<64x4xf32, #tpu.memory_space<vmem_shared>>
      tpu.wait_indirect_dma semaphore(%run_scoped3A_60 : memref<!tpu.dma_semaphore, #tpu.memory_space<semaphore_mem>>) src(%dma_wait3A_72 : memref<112x4xf32, #tpu.memory_space<vmem>>) dst(%dma_wait3A_78 : memref<64x4xf32, #tpu.memory_space<vmem_shared>>)
      tpu.yield
    }) : () -> ()
    %run_scoped3A_32 = arith.constant 6 : i32
    "tpu.region"() ({
      %run_scoped3A_60 = tpu.sem_alloc : memref<!tpu.dma_semaphore, #tpu.memory_space<semaphore_mem>>
      %dma_start3A_61 = arith.constant 672 : i32
      %dma_start3A_62 = arith.constant 0 : i32
      %dma_start3A_63 = tpu.memref_slice %arg6[%dma_start3A_61, %dma_start3A_62] : memref<3136x4xf32, #tpu.memory_space<vmem>> -> memref<112x4xf32, #tpu.memory_space<vmem>>
      %dma_start3A_64 = arith.constant 0 : i32
      %dma_start3A_65 = tpu.memref_slice %arg7[%run_scoped3A_32, %dma_start3A_64] : memref<28x112xi32, #tpu.memory_space<vmem>> -> memref<1x112xi32, #tpu.memory_space<vmem>>
      %dma_start3A_66 = tpu.memref_squeeze %dma_start3A_65 : memref<1x112xi32, #tpu.memory_space<vmem>> -> memref<112xi32, #tpu.memory_space<vmem>>
      %dma_start3A_67 = arith.constant 0 : i32
      %dma_start3A_68 = arith.constant 0 : i32
      %dma_start3A_69 = tpu.memref_slice %arg9[%dma_start3A_67, %dma_start3A_68] : memref<64x4xf32, #tpu.memory_space<vmem_shared>> -> memref<64x4xf32, #tpu.memory_space<vmem_shared>>
      tpu.enqueue_indirect_dma source(%dma_start3A_63 : memref<112x4xf32, #tpu.memory_space<vmem>>) target(%dma_start3A_69 : memref<64x4xf32, #tpu.memory_space<vmem_shared>>) offsets(%dma_start3A_66 : memref<112xi32, #tpu.memory_space<vmem>>) semaphore(%run_scoped3A_60 : memref<!tpu.dma_semaphore, #tpu.memory_space<semaphore_mem>>) {add = true}
      %dma_wait3A_70 = arith.constant 672 : i32
      %dma_wait3A_71 = arith.constant 0 : i32
      %dma_wait3A_72 = tpu.memref_slice %arg6[%dma_wait3A_70, %dma_wait3A_71] : memref<3136x4xf32, #tpu.memory_space<vmem>> -> memref<112x4xf32, #tpu.memory_space<vmem>>
      %dma_wait3A_73 = arith.constant 0 : i32
      %dma_wait3A_74 = tpu.memref_slice %arg7[%run_scoped3A_32, %dma_wait3A_73] : memref<28x112xi32, #tpu.memory_space<vmem>> -> memref<1x112xi32, #tpu.memory_space<vmem>>
      %dma_wait3A_75 = tpu.memref_squeeze %dma_wait3A_74 : memref<1x112xi32, #tpu.memory_space<vmem>> -> memref<112xi32, #tpu.memory_space<vmem>>
      %dma_wait3A_76 = arith.constant 0 : i32
      %dma_wait3A_77 = arith.constant 0 : i32
      %dma_wait3A_78 = tpu.memref_slice %arg9[%dma_wait3A_76, %dma_wait3A_77] : memref<64x4xf32, #tpu.memory_space<vmem_shared>> -> memref<64x4xf32, #tpu.memory_space<vmem_shared>>
      tpu.wait_indirect_dma semaphore(%run_scoped3A_60 : memref<!tpu.dma_semaphore, #tpu.memory_space<semaphore_mem>>) src(%dma_wait3A_72 : memref<112x4xf32, #tpu.memory_space<vmem>>) dst(%dma_wait3A_78 : memref<64x4xf32, #tpu.memory_space<vmem_shared>>)
      tpu.yield
    }) : () -> ()
    %run_scoped3A_33 = arith.constant 7 : i32
    "tpu.region"() ({
      %run_scoped3A_60 = tpu.sem_alloc : memref<!tpu.dma_semaphore, #tpu.memory_space<semaphore_mem>>
      %dma_start3A_61 = arith.constant 784 : i32
      %dma_start3A_62 = arith.constant 0 : i32
      %dma_start3A_63 = tpu.memref_slice %arg6[%dma_start3A_61, %dma_start3A_62] : memref<3136x4xf32, #tpu.memory_space<vmem>> -> memref<112x4xf32, #tpu.memory_space<vmem>>
      %dma_start3A_64 = arith.constant 0 : i32
      %dma_start3A_65 = tpu.memref_slice %arg7[%run_scoped3A_33, %dma_start3A_64] : memref<28x112xi32, #tpu.memory_space<vmem>> -> memref<1x112xi32, #tpu.memory_space<vmem>>
      %dma_start3A_66 = tpu.memref_squeeze %dma_start3A_65 : memref<1x112xi32, #tpu.memory_space<vmem>> -> memref<112xi32, #tpu.memory_space<vmem>>
      %dma_start3A_67 = arith.constant 0 : i32
      %dma_start3A_68 = arith.constant 0 : i32
      %dma_start3A_69 = tpu.memref_slice %arg9[%dma_start3A_67, %dma_start3A_68] : memref<64x4xf32, #tpu.memory_space<vmem_shared>> -> memref<64x4xf32, #tpu.memory_space<vmem_shared>>
      tpu.enqueue_indirect_dma source(%dma_start3A_63 : memref<112x4xf32, #tpu.memory_space<vmem>>) target(%dma_start3A_69 : memref<64x4xf32, #tpu.memory_space<vmem_shared>>) offsets(%dma_start3A_66 : memref<112xi32, #tpu.memory_space<vmem>>) semaphore(%run_scoped3A_60 : memref<!tpu.dma_semaphore, #tpu.memory_space<semaphore_mem>>) {add = true}
      %dma_wait3A_70 = arith.constant 784 : i32
      %dma_wait3A_71 = arith.constant 0 : i32
      %dma_wait3A_72 = tpu.memref_slice %arg6[%dma_wait3A_70, %dma_wait3A_71] : memref<3136x4xf32, #tpu.memory_space<vmem>> -> memref<112x4xf32, #tpu.memory_space<vmem>>
      %dma_wait3A_73 = arith.constant 0 : i32
      %dma_wait3A_74 = tpu.memref_slice %arg7[%run_scoped3A_33, %dma_wait3A_73] : memref<28x112xi32, #tpu.memory_space<vmem>> -> memref<1x112xi32, #tpu.memory_space<vmem>>
      %dma_wait3A_75 = tpu.memref_squeeze %dma_wait3A_74 : memref<1x112xi32, #tpu.memory_space<vmem>> -> memref<112xi32, #tpu.memory_space<vmem>>
      %dma_wait3A_76 = arith.constant 0 : i32
      %dma_wait3A_77 = arith.constant 0 : i32
      %dma_wait3A_78 = tpu.memref_slice %arg9[%dma_wait3A_76, %dma_wait3A_77] : memref<64x4xf32, #tpu.memory_space<vmem_shared>> -> memref<64x4xf32, #tpu.memory_space<vmem_shared>>
      tpu.wait_indirect_dma semaphore(%run_scoped3A_60 : memref<!tpu.dma_semaphore, #tpu.memory_space<semaphore_mem>>) src(%dma_wait3A_72 : memref<112x4xf32, #tpu.memory_space<vmem>>) dst(%dma_wait3A_78 : memref<64x4xf32, #tpu.memory_space<vmem_shared>>)
      tpu.yield
    }) : () -> ()
    %run_scoped3A_34 = arith.constant 8 : i32
    "tpu.region"() ({
      %run_scoped3A_60 = tpu.sem_alloc : memref<!tpu.dma_semaphore, #tpu.memory_space<semaphore_mem>>
      %dma_start3A_61 = arith.constant 896 : i32
      %dma_start3A_62 = arith.constant 0 : i32
      %dma_start3A_63 = tpu.memref_slice %arg6[%dma_start3A_61, %dma_start3A_62] : memref<3136x4xf32, #tpu.memory_space<vmem>> -> memref<112x4xf32, #tpu.memory_space<vmem>>
      %dma_start3A_64 = arith.constant 0 : i32
      %dma_start3A_65 = tpu.memref_slice %arg7[%run_scoped3A_34, %dma_start3A_64] : memref<28x112xi32, #tpu.memory_space<vmem>> -> memref<1x112xi32, #tpu.memory_space<vmem>>
      %dma_start3A_66 = tpu.memref_squeeze %dma_start3A_65 : memref<1x112xi32, #tpu.memory_space<vmem>> -> memref<112xi32, #tpu.memory_space<vmem>>
      %dma_start3A_67 = arith.constant 0 : i32
      %dma_start3A_68 = arith.constant 0 : i32
      %dma_start3A_69 = tpu.memref_slice %arg9[%dma_start3A_67, %dma_start3A_68] : memref<64x4xf32, #tpu.memory_space<vmem_shared>> -> memref<64x4xf32, #tpu.memory_space<vmem_shared>>
      tpu.enqueue_indirect_dma source(%dma_start3A_63 : memref<112x4xf32, #tpu.memory_space<vmem>>) target(%dma_start3A_69 : memref<64x4xf32, #tpu.memory_space<vmem_shared>>) offsets(%dma_start3A_66 : memref<112xi32, #tpu.memory_space<vmem>>) semaphore(%run_scoped3A_60 : memref<!tpu.dma_semaphore, #tpu.memory_space<semaphore_mem>>) {add = true}
      %dma_wait3A_70 = arith.constant 896 : i32
      %dma_wait3A_71 = arith.constant 0 : i32
      %dma_wait3A_72 = tpu.memref_slice %arg6[%dma_wait3A_70, %dma_wait3A_71] : memref<3136x4xf32, #tpu.memory_space<vmem>> -> memref<112x4xf32, #tpu.memory_space<vmem>>
      %dma_wait3A_73 = arith.constant 0 : i32
      %dma_wait3A_74 = tpu.memref_slice %arg7[%run_scoped3A_34, %dma_wait3A_73] : memref<28x112xi32, #tpu.memory_space<vmem>> -> memref<1x112xi32, #tpu.memory_space<vmem>>
      %dma_wait3A_75 = tpu.memref_squeeze %dma_wait3A_74 : memref<1x112xi32, #tpu.memory_space<vmem>> -> memref<112xi32, #tpu.memory_space<vmem>>
      %dma_wait3A_76 = arith.constant 0 : i32
      %dma_wait3A_77 = arith.constant 0 : i32
      %dma_wait3A_78 = tpu.memref_slice %arg9[%dma_wait3A_76, %dma_wait3A_77] : memref<64x4xf32, #tpu.memory_space<vmem_shared>> -> memref<64x4xf32, #tpu.memory_space<vmem_shared>>
      tpu.wait_indirect_dma semaphore(%run_scoped3A_60 : memref<!tpu.dma_semaphore, #tpu.memory_space<semaphore_mem>>) src(%dma_wait3A_72 : memref<112x4xf32, #tpu.memory_space<vmem>>) dst(%dma_wait3A_78 : memref<64x4xf32, #tpu.memory_space<vmem_shared>>)
      tpu.yield
    }) : () -> ()
    %run_scoped3A_35 = arith.constant 9 : i32
    "tpu.region"() ({
      %run_scoped3A_60 = tpu.sem_alloc : memref<!tpu.dma_semaphore, #tpu.memory_space<semaphore_mem>>
      %dma_start3A_61 = arith.constant 1008 : i32
      %dma_start3A_62 = arith.constant 0 : i32
      %dma_start3A_63 = tpu.memref_slice %arg6[%dma_start3A_61, %dma_start3A_62] : memref<3136x4xf32, #tpu.memory_space<vmem>> -> memref<112x4xf32, #tpu.memory_space<vmem>>
      %dma_start3A_64 = arith.constant 0 : i32
      %dma_start3A_65 = tpu.memref_slice %arg7[%run_scoped3A_35, %dma_start3A_64] : memref<28x112xi32, #tpu.memory_space<vmem>> -> memref<1x112xi32, #tpu.memory_space<vmem>>
      %dma_start3A_66 = tpu.memref_squeeze %dma_start3A_65 : memref<1x112xi32, #tpu.memory_space<vmem>> -> memref<112xi32, #tpu.memory_space<vmem>>
      %dma_start3A_67 = arith.constant 0 : i32
      %dma_start3A_68 = arith.constant 0 : i32
      %dma_start3A_69 = tpu.memref_slice %arg9[%dma_start3A_67, %dma_start3A_68] : memref<64x4xf32, #tpu.memory_space<vmem_shared>> -> memref<64x4xf32, #tpu.memory_space<vmem_shared>>
      tpu.enqueue_indirect_dma source(%dma_start3A_63 : memref<112x4xf32, #tpu.memory_space<vmem>>) target(%dma_start3A_69 : memref<64x4xf32, #tpu.memory_space<vmem_shared>>) offsets(%dma_start3A_66 : memref<112xi32, #tpu.memory_space<vmem>>) semaphore(%run_scoped3A_60 : memref<!tpu.dma_semaphore, #tpu.memory_space<semaphore_mem>>) {add = true}
      %dma_wait3A_70 = arith.constant 1008 : i32
      %dma_wait3A_71 = arith.constant 0 : i32
      %dma_wait3A_72 = tpu.memref_slice %arg6[%dma_wait3A_70, %dma_wait3A_71] : memref<3136x4xf32, #tpu.memory_space<vmem>> -> memref<112x4xf32, #tpu.memory_space<vmem>>
      %dma_wait3A_73 = arith.constant 0 : i32
      %dma_wait3A_74 = tpu.memref_slice %arg7[%run_scoped3A_35, %dma_wait3A_73] : memref<28x112xi32, #tpu.memory_space<vmem>> -> memref<1x112xi32, #tpu.memory_space<vmem>>
      %dma_wait3A_75 = tpu.memref_squeeze %dma_wait3A_74 : memref<1x112xi32, #tpu.memory_space<vmem>> -> memref<112xi32, #tpu.memory_space<vmem>>
      %dma_wait3A_76 = arith.constant 0 : i32
      %dma_wait3A_77 = arith.constant 0 : i32
      %dma_wait3A_78 = tpu.memref_slice %arg9[%dma_wait3A_76, %dma_wait3A_77] : memref<64x4xf32, #tpu.memory_space<vmem_shared>> -> memref<64x4xf32, #tpu.memory_space<vmem_shared>>
      tpu.wait_indirect_dma semaphore(%run_scoped3A_60 : memref<!tpu.dma_semaphore, #tpu.memory_space<semaphore_mem>>) src(%dma_wait3A_72 : memref<112x4xf32, #tpu.memory_space<vmem>>) dst(%dma_wait3A_78 : memref<64x4xf32, #tpu.memory_space<vmem_shared>>)
      tpu.yield
    }) : () -> ()
    %run_scoped3A_36 = arith.constant 10 : i32
    "tpu.region"() ({
      %run_scoped3A_60 = tpu.sem_alloc : memref<!tpu.dma_semaphore, #tpu.memory_space<semaphore_mem>>
      %dma_start3A_61 = arith.constant 1120 : i32
      %dma_start3A_62 = arith.constant 0 : i32
      %dma_start3A_63 = tpu.memref_slice %arg6[%dma_start3A_61, %dma_start3A_62] : memref<3136x4xf32, #tpu.memory_space<vmem>> -> memref<112x4xf32, #tpu.memory_space<vmem>>
      %dma_start3A_64 = arith.constant 0 : i32
      %dma_start3A_65 = tpu.memref_slice %arg7[%run_scoped3A_36, %dma_start3A_64] : memref<28x112xi32, #tpu.memory_space<vmem>> -> memref<1x112xi32, #tpu.memory_space<vmem>>
      %dma_start3A_66 = tpu.memref_squeeze %dma_start3A_65 : memref<1x112xi32, #tpu.memory_space<vmem>> -> memref<112xi32, #tpu.memory_space<vmem>>
      %dma_start3A_67 = arith.constant 0 : i32
      %dma_start3A_68 = arith.constant 0 : i32
      %dma_start3A_69 = tpu.memref_slice %arg9[%dma_start3A_67, %dma_start3A_68] : memref<64x4xf32, #tpu.memory_space<vmem_shared>> -> memref<64x4xf32, #tpu.memory_space<vmem_shared>>
      tpu.enqueue_indirect_dma source(%dma_start3A_63 : memref<112x4xf32, #tpu.memory_space<vmem>>) target(%dma_start3A_69 : memref<64x4xf32, #tpu.memory_space<vmem_shared>>) offsets(%dma_start3A_66 : memref<112xi32, #tpu.memory_space<vmem>>) semaphore(%run_scoped3A_60 : memref<!tpu.dma_semaphore, #tpu.memory_space<semaphore_mem>>) {add = true}
      %dma_wait3A_70 = arith.constant 1120 : i32
      %dma_wait3A_71 = arith.constant 0 : i32
      %dma_wait3A_72 = tpu.memref_slice %arg6[%dma_wait3A_70, %dma_wait3A_71] : memref<3136x4xf32, #tpu.memory_space<vmem>> -> memref<112x4xf32, #tpu.memory_space<vmem>>
      %dma_wait3A_73 = arith.constant 0 : i32
      %dma_wait3A_74 = tpu.memref_slice %arg7[%run_scoped3A_36, %dma_wait3A_73] : memref<28x112xi32, #tpu.memory_space<vmem>> -> memref<1x112xi32, #tpu.memory_space<vmem>>
      %dma_wait3A_75 = tpu.memref_squeeze %dma_wait3A_74 : memref<1x112xi32, #tpu.memory_space<vmem>> -> memref<112xi32, #tpu.memory_space<vmem>>
      %dma_wait3A_76 = arith.constant 0 : i32
      %dma_wait3A_77 = arith.constant 0 : i32
      %dma_wait3A_78 = tpu.memref_slice %arg9[%dma_wait3A_76, %dma_wait3A_77] : memref<64x4xf32, #tpu.memory_space<vmem_shared>> -> memref<64x4xf32, #tpu.memory_space<vmem_shared>>
      tpu.wait_indirect_dma semaphore(%run_scoped3A_60 : memref<!tpu.dma_semaphore, #tpu.memory_space<semaphore_mem>>) src(%dma_wait3A_72 : memref<112x4xf32, #tpu.memory_space<vmem>>) dst(%dma_wait3A_78 : memref<64x4xf32, #tpu.memory_space<vmem_shared>>)
      tpu.yield
    }) : () -> ()
    %run_scoped3A_37 = arith.constant 11 : i32
    "tpu.region"() ({
      %run_scoped3A_60 = tpu.sem_alloc : memref<!tpu.dma_semaphore, #tpu.memory_space<semaphore_mem>>
      %dma_start3A_61 = arith.constant 1232 : i32
      %dma_start3A_62 = arith.constant 0 : i32
      %dma_start3A_63 = tpu.memref_slice %arg6[%dma_start3A_61, %dma_start3A_62] : memref<3136x4xf32, #tpu.memory_space<vmem>> -> memref<112x4xf32, #tpu.memory_space<vmem>>
      %dma_start3A_64 = arith.constant 0 : i32
      %dma_start3A_65 = tpu.memref_slice %arg7[%run_scoped3A_37, %dma_start3A_64] : memref<28x112xi32, #tpu.memory_space<vmem>> -> memref<1x112xi32, #tpu.memory_space<vmem>>
      %dma_start3A_66 = tpu.memref_squeeze %dma_start3A_65 : memref<1x112xi32, #tpu.memory_space<vmem>> -> memref<112xi32, #tpu.memory_space<vmem>>
      %dma_start3A_67 = arith.constant 0 : i32
      %dma_start3A_68 = arith.constant 0 : i32
      %dma_start3A_69 = tpu.memref_slice %arg9[%dma_start3A_67, %dma_start3A_68] : memref<64x4xf32, #tpu.memory_space<vmem_shared>> -> memref<64x4xf32, #tpu.memory_space<vmem_shared>>
      tpu.enqueue_indirect_dma source(%dma_start3A_63 : memref<112x4xf32, #tpu.memory_space<vmem>>) target(%dma_start3A_69 : memref<64x4xf32, #tpu.memory_space<vmem_shared>>) offsets(%dma_start3A_66 : memref<112xi32, #tpu.memory_space<vmem>>) semaphore(%run_scoped3A_60 : memref<!tpu.dma_semaphore, #tpu.memory_space<semaphore_mem>>) {add = true}
      %dma_wait3A_70 = arith.constant 1232 : i32
      %dma_wait3A_71 = arith.constant 0 : i32
      %dma_wait3A_72 = tpu.memref_slice %arg6[%dma_wait3A_70, %dma_wait3A_71] : memref<3136x4xf32, #tpu.memory_space<vmem>> -> memref<112x4xf32, #tpu.memory_space<vmem>>
      %dma_wait3A_73 = arith.constant 0 : i32
      %dma_wait3A_74 = tpu.memref_slice %arg7[%run_scoped3A_37, %dma_wait3A_73] : memref<28x112xi32, #tpu.memory_space<vmem>> -> memref<1x112xi32, #tpu.memory_space<vmem>>
      %dma_wait3A_75 = tpu.memref_squeeze %dma_wait3A_74 : memref<1x112xi32, #tpu.memory_space<vmem>> -> memref<112xi32, #tpu.memory_space<vmem>>
      %dma_wait3A_76 = arith.constant 0 : i32
      %dma_wait3A_77 = arith.constant 0 : i32
      %dma_wait3A_78 = tpu.memref_slice %arg9[%dma_wait3A_76, %dma_wait3A_77] : memref<64x4xf32, #tpu.memory_space<vmem_shared>> -> memref<64x4xf32, #tpu.memory_space<vmem_shared>>
      tpu.wait_indirect_dma semaphore(%run_scoped3A_60 : memref<!tpu.dma_semaphore, #tpu.memory_space<semaphore_mem>>) src(%dma_wait3A_72 : memref<112x4xf32, #tpu.memory_space<vmem>>) dst(%dma_wait3A_78 : memref<64x4xf32, #tpu.memory_space<vmem_shared>>)
      tpu.yield
    }) : () -> ()
    %run_scoped3A_38 = arith.constant 12 : i32
    "tpu.region"() ({
      %run_scoped3A_60 = tpu.sem_alloc : memref<!tpu.dma_semaphore, #tpu.memory_space<semaphore_mem>>
      %dma_start3A_61 = arith.constant 1344 : i32
      %dma_start3A_62 = arith.constant 0 : i32
      %dma_start3A_63 = tpu.memref_slice %arg6[%dma_start3A_61, %dma_start3A_62] : memref<3136x4xf32, #tpu.memory_space<vmem>> -> memref<112x4xf32, #tpu.memory_space<vmem>>
      %dma_start3A_64 = arith.constant 0 : i32
      %dma_start3A_65 = tpu.memref_slice %arg7[%run_scoped3A_38, %dma_start3A_64] : memref<28x112xi32, #tpu.memory_space<vmem>> -> memref<1x112xi32, #tpu.memory_space<vmem>>
      %dma_start3A_66 = tpu.memref_squeeze %dma_start3A_65 : memref<1x112xi32, #tpu.memory_space<vmem>> -> memref<112xi32, #tpu.memory_space<vmem>>
      %dma_start3A_67 = arith.constant 0 : i32
      %dma_start3A_68 = arith.constant 0 : i32
      %dma_start3A_69 = tpu.memref_slice %arg9[%dma_start3A_67, %dma_start3A_68] : memref<64x4xf32, #tpu.memory_space<vmem_shared>> -> memref<64x4xf32, #tpu.memory_space<vmem_shared>>
      tpu.enqueue_indirect_dma source(%dma_start3A_63 : memref<112x4xf32, #tpu.memory_space<vmem>>) target(%dma_start3A_69 : memref<64x4xf32, #tpu.memory_space<vmem_shared>>) offsets(%dma_start3A_66 : memref<112xi32, #tpu.memory_space<vmem>>) semaphore(%run_scoped3A_60 : memref<!tpu.dma_semaphore, #tpu.memory_space<semaphore_mem>>) {add = true}
      %dma_wait3A_70 = arith.constant 1344 : i32
      %dma_wait3A_71 = arith.constant 0 : i32
      %dma_wait3A_72 = tpu.memref_slice %arg6[%dma_wait3A_70, %dma_wait3A_71] : memref<3136x4xf32, #tpu.memory_space<vmem>> -> memref<112x4xf32, #tpu.memory_space<vmem>>
      %dma_wait3A_73 = arith.constant 0 : i32
      %dma_wait3A_74 = tpu.memref_slice %arg7[%run_scoped3A_38, %dma_wait3A_73] : memref<28x112xi32, #tpu.memory_space<vmem>> -> memref<1x112xi32, #tpu.memory_space<vmem>>
      %dma_wait3A_75 = tpu.memref_squeeze %dma_wait3A_74 : memref<1x112xi32, #tpu.memory_space<vmem>> -> memref<112xi32, #tpu.memory_space<vmem>>
      %dma_wait3A_76 = arith.constant 0 : i32
      %dma_wait3A_77 = arith.constant 0 : i32
      %dma_wait3A_78 = tpu.memref_slice %arg9[%dma_wait3A_76, %dma_wait3A_77] : memref<64x4xf32, #tpu.memory_space<vmem_shared>> -> memref<64x4xf32, #tpu.memory_space<vmem_shared>>
      tpu.wait_indirect_dma semaphore(%run_scoped3A_60 : memref<!tpu.dma_semaphore, #tpu.memory_space<semaphore_mem>>) src(%dma_wait3A_72 : memref<112x4xf32, #tpu.memory_space<vmem>>) dst(%dma_wait3A_78 : memref<64x4xf32, #tpu.memory_space<vmem_shared>>)
      tpu.yield
    }) : () -> ()
    %run_scoped3A_39 = arith.constant 13 : i32
    "tpu.region"() ({
      %run_scoped3A_60 = tpu.sem_alloc : memref<!tpu.dma_semaphore, #tpu.memory_space<semaphore_mem>>
      %dma_start3A_61 = arith.constant 1456 : i32
      %dma_start3A_62 = arith.constant 0 : i32
      %dma_start3A_63 = tpu.memref_slice %arg6[%dma_start3A_61, %dma_start3A_62] : memref<3136x4xf32, #tpu.memory_space<vmem>> -> memref<112x4xf32, #tpu.memory_space<vmem>>
      %dma_start3A_64 = arith.constant 0 : i32
      %dma_start3A_65 = tpu.memref_slice %arg7[%run_scoped3A_39, %dma_start3A_64] : memref<28x112xi32, #tpu.memory_space<vmem>> -> memref<1x112xi32, #tpu.memory_space<vmem>>
      %dma_start3A_66 = tpu.memref_squeeze %dma_start3A_65 : memref<1x112xi32, #tpu.memory_space<vmem>> -> memref<112xi32, #tpu.memory_space<vmem>>
      %dma_start3A_67 = arith.constant 0 : i32
      %dma_start3A_68 = arith.constant 0 : i32
      %dma_start3A_69 = tpu.memref_slice %arg9[%dma_start3A_67, %dma_start3A_68] : memref<64x4xf32, #tpu.memory_space<vmem_shared>> -> memref<64x4xf32, #tpu.memory_space<vmem_shared>>
      tpu.enqueue_indirect_dma source(%dma_start3A_63 : memref<112x4xf32, #tpu.memory_space<vmem>>) target(%dma_start3A_69 : memref<64x4xf32, #tpu.memory_space<vmem_shared>>) offsets(%dma_start3A_66 : memref<112xi32, #tpu.memory_space<vmem>>) semaphore(%run_scoped3A_60 : memref<!tpu.dma_semaphore, #tpu.memory_space<semaphore_mem>>) {add = true}
      %dma_wait3A_70 = arith.constant 1456 : i32
      %dma_wait3A_71 = arith.constant 0 : i32
      %dma_wait3A_72 = tpu.memref_slice %arg6[%dma_wait3A_70, %dma_wait3A_71] : memref<3136x4xf32, #tpu.memory_space<vmem>> -> memref<112x4xf32, #tpu.memory_space<vmem>>
      %dma_wait3A_73 = arith.constant 0 : i32
      %dma_wait3A_74 = tpu.memref_slice %arg7[%run_scoped3A_39, %dma_wait3A_73] : memref<28x112xi32, #tpu.memory_space<vmem>> -> memref<1x112xi32, #tpu.memory_space<vmem>>
      %dma_wait3A_75 = tpu.memref_squeeze %dma_wait3A_74 : memref<1x112xi32, #tpu.memory_space<vmem>> -> memref<112xi32, #tpu.memory_space<vmem>>
      %dma_wait3A_76 = arith.constant 0 : i32
      %dma_wait3A_77 = arith.constant 0 : i32
      %dma_wait3A_78 = tpu.memref_slice %arg9[%dma_wait3A_76, %dma_wait3A_77] : memref<64x4xf32, #tpu.memory_space<vmem_shared>> -> memref<64x4xf32, #tpu.memory_space<vmem_shared>>
      tpu.wait_indirect_dma semaphore(%run_scoped3A_60 : memref<!tpu.dma_semaphore, #tpu.memory_space<semaphore_mem>>) src(%dma_wait3A_72 : memref<112x4xf32, #tpu.memory_space<vmem>>) dst(%dma_wait3A_78 : memref<64x4xf32, #tpu.memory_space<vmem_shared>>)
      tpu.yield
    }) : () -> ()
    %run_scoped3A_40 = arith.constant 14 : i32
    "tpu.region"() ({
      %run_scoped3A_60 = tpu.sem_alloc : memref<!tpu.dma_semaphore, #tpu.memory_space<semaphore_mem>>
      %dma_start3A_61 = arith.constant 1568 : i32
      %dma_start3A_62 = arith.constant 0 : i32
      %dma_start3A_63 = tpu.memref_slice %arg6[%dma_start3A_61, %dma_start3A_62] : memref<3136x4xf32, #tpu.memory_space<vmem>> -> memref<112x4xf32, #tpu.memory_space<vmem>>
      %dma_start3A_64 = arith.constant 0 : i32
      %dma_start3A_65 = tpu.memref_slice %arg7[%run_scoped3A_40, %dma_start3A_64] : memref<28x112xi32, #tpu.memory_space<vmem>> -> memref<1x112xi32, #tpu.memory_space<vmem>>
      %dma_start3A_66 = tpu.memref_squeeze %dma_start3A_65 : memref<1x112xi32, #tpu.memory_space<vmem>> -> memref<112xi32, #tpu.memory_space<vmem>>
      %dma_start3A_67 = arith.constant 0 : i32
      %dma_start3A_68 = arith.constant 0 : i32
      %dma_start3A_69 = tpu.memref_slice %arg9[%dma_start3A_67, %dma_start3A_68] : memref<64x4xf32, #tpu.memory_space<vmem_shared>> -> memref<64x4xf32, #tpu.memory_space<vmem_shared>>
      tpu.enqueue_indirect_dma source(%dma_start3A_63 : memref<112x4xf32, #tpu.memory_space<vmem>>) target(%dma_start3A_69 : memref<64x4xf32, #tpu.memory_space<vmem_shared>>) offsets(%dma_start3A_66 : memref<112xi32, #tpu.memory_space<vmem>>) semaphore(%run_scoped3A_60 : memref<!tpu.dma_semaphore, #tpu.memory_space<semaphore_mem>>) {add = true}
      %dma_wait3A_70 = arith.constant 1568 : i32
      %dma_wait3A_71 = arith.constant 0 : i32
      %dma_wait3A_72 = tpu.memref_slice %arg6[%dma_wait3A_70, %dma_wait3A_71] : memref<3136x4xf32, #tpu.memory_space<vmem>> -> memref<112x4xf32, #tpu.memory_space<vmem>>
      %dma_wait3A_73 = arith.constant 0 : i32
      %dma_wait3A_74 = tpu.memref_slice %arg7[%run_scoped3A_40, %dma_wait3A_73] : memref<28x112xi32, #tpu.memory_space<vmem>> -> memref<1x112xi32, #tpu.memory_space<vmem>>
      %dma_wait3A_75 = tpu.memref_squeeze %dma_wait3A_74 : memref<1x112xi32, #tpu.memory_space<vmem>> -> memref<112xi32, #tpu.memory_space<vmem>>
      %dma_wait3A_76 = arith.constant 0 : i32
      %dma_wait3A_77 = arith.constant 0 : i32
      %dma_wait3A_78 = tpu.memref_slice %arg9[%dma_wait3A_76, %dma_wait3A_77] : memref<64x4xf32, #tpu.memory_space<vmem_shared>> -> memref<64x4xf32, #tpu.memory_space<vmem_shared>>
      tpu.wait_indirect_dma semaphore(%run_scoped3A_60 : memref<!tpu.dma_semaphore, #tpu.memory_space<semaphore_mem>>) src(%dma_wait3A_72 : memref<112x4xf32, #tpu.memory_space<vmem>>) dst(%dma_wait3A_78 : memref<64x4xf32, #tpu.memory_space<vmem_shared>>)
      tpu.yield
    }) : () -> ()
    %run_scoped3A_41 = arith.constant 15 : i32
    "tpu.region"() ({
      %run_scoped3A_60 = tpu.sem_alloc : memref<!tpu.dma_semaphore, #tpu.memory_space<semaphore_mem>>
      %dma_start3A_61 = arith.constant 1680 : i32
      %dma_start3A_62 = arith.constant 0 : i32
      %dma_start3A_63 = tpu.memref_slice %arg6[%dma_start3A_61, %dma_start3A_62] : memref<3136x4xf32, #tpu.memory_space<vmem>> -> memref<112x4xf32, #tpu.memory_space<vmem>>
      %dma_start3A_64 = arith.constant 0 : i32
      %dma_start3A_65 = tpu.memref_slice %arg7[%run_scoped3A_41, %dma_start3A_64] : memref<28x112xi32, #tpu.memory_space<vmem>> -> memref<1x112xi32, #tpu.memory_space<vmem>>
      %dma_start3A_66 = tpu.memref_squeeze %dma_start3A_65 : memref<1x112xi32, #tpu.memory_space<vmem>> -> memref<112xi32, #tpu.memory_space<vmem>>
      %dma_start3A_67 = arith.constant 0 : i32
      %dma_start3A_68 = arith.constant 0 : i32
      %dma_start3A_69 = tpu.memref_slice %arg9[%dma_start3A_67, %dma_start3A_68] : memref<64x4xf32, #tpu.memory_space<vmem_shared>> -> memref<64x4xf32, #tpu.memory_space<vmem_shared>>
      tpu.enqueue_indirect_dma source(%dma_start3A_63 : memref<112x4xf32, #tpu.memory_space<vmem>>) target(%dma_start3A_69 : memref<64x4xf32, #tpu.memory_space<vmem_shared>>) offsets(%dma_start3A_66 : memref<112xi32, #tpu.memory_space<vmem>>) semaphore(%run_scoped3A_60 : memref<!tpu.dma_semaphore, #tpu.memory_space<semaphore_mem>>) {add = true}
      %dma_wait3A_70 = arith.constant 1680 : i32
      %dma_wait3A_71 = arith.constant 0 : i32
      %dma_wait3A_72 = tpu.memref_slice %arg6[%dma_wait3A_70, %dma_wait3A_71] : memref<3136x4xf32, #tpu.memory_space<vmem>> -> memref<112x4xf32, #tpu.memory_space<vmem>>
      %dma_wait3A_73 = arith.constant 0 : i32
      %dma_wait3A_74 = tpu.memref_slice %arg7[%run_scoped3A_41, %dma_wait3A_73] : memref<28x112xi32, #tpu.memory_space<vmem>> -> memref<1x112xi32, #tpu.memory_space<vmem>>
      %dma_wait3A_75 = tpu.memref_squeeze %dma_wait3A_74 : memref<1x112xi32, #tpu.memory_space<vmem>> -> memref<112xi32, #tpu.memory_space<vmem>>
      %dma_wait3A_76 = arith.constant 0 : i32
      %dma_wait3A_77 = arith.constant 0 : i32
      %dma_wait3A_78 = tpu.memref_slice %arg9[%dma_wait3A_76, %dma_wait3A_77] : memref<64x4xf32, #tpu.memory_space<vmem_shared>> -> memref<64x4xf32, #tpu.memory_space<vmem_shared>>
      tpu.wait_indirect_dma semaphore(%run_scoped3A_60 : memref<!tpu.dma_semaphore, #tpu.memory_space<semaphore_mem>>) src(%dma_wait3A_72 : memref<112x4xf32, #tpu.memory_space<vmem>>) dst(%dma_wait3A_78 : memref<64x4xf32, #tpu.memory_space<vmem_shared>>)
      tpu.yield
    }) : () -> ()
    %run_scoped3A_42 = arith.constant 16 : i32
    "tpu.region"() ({
      %run_scoped3A_60 = tpu.sem_alloc : memref<!tpu.dma_semaphore, #tpu.memory_space<semaphore_mem>>
      %dma_start3A_61 = arith.constant 1792 : i32
      %dma_start3A_62 = arith.constant 0 : i32
      %dma_start3A_63 = tpu.memref_slice %arg6[%dma_start3A_61, %dma_start3A_62] : memref<3136x4xf32, #tpu.memory_space<vmem>> -> memref<112x4xf32, #tpu.memory_space<vmem>>
      %dma_start3A_64 = arith.constant 0 : i32
      %dma_start3A_65 = tpu.memref_slice %arg7[%run_scoped3A_42, %dma_start3A_64] : memref<28x112xi32, #tpu.memory_space<vmem>> -> memref<1x112xi32, #tpu.memory_space<vmem>>
      %dma_start3A_66 = tpu.memref_squeeze %dma_start3A_65 : memref<1x112xi32, #tpu.memory_space<vmem>> -> memref<112xi32, #tpu.memory_space<vmem>>
      %dma_start3A_67 = arith.constant 0 : i32
      %dma_start3A_68 = arith.constant 0 : i32
      %dma_start3A_69 = tpu.memref_slice %arg9[%dma_start3A_67, %dma_start3A_68] : memref<64x4xf32, #tpu.memory_space<vmem_shared>> -> memref<64x4xf32, #tpu.memory_space<vmem_shared>>
      tpu.enqueue_indirect_dma source(%dma_start3A_63 : memref<112x4xf32, #tpu.memory_space<vmem>>) target(%dma_start3A_69 : memref<64x4xf32, #tpu.memory_space<vmem_shared>>) offsets(%dma_start3A_66 : memref<112xi32, #tpu.memory_space<vmem>>) semaphore(%run_scoped3A_60 : memref<!tpu.dma_semaphore, #tpu.memory_space<semaphore_mem>>) {add = true}
      %dma_wait3A_70 = arith.constant 1792 : i32
      %dma_wait3A_71 = arith.constant 0 : i32
      %dma_wait3A_72 = tpu.memref_slice %arg6[%dma_wait3A_70, %dma_wait3A_71] : memref<3136x4xf32, #tpu.memory_space<vmem>> -> memref<112x4xf32, #tpu.memory_space<vmem>>
      %dma_wait3A_73 = arith.constant 0 : i32
      %dma_wait3A_74 = tpu.memref_slice %arg7[%run_scoped3A_42, %dma_wait3A_73] : memref<28x112xi32, #tpu.memory_space<vmem>> -> memref<1x112xi32, #tpu.memory_space<vmem>>
      %dma_wait3A_75 = tpu.memref_squeeze %dma_wait3A_74 : memref<1x112xi32, #tpu.memory_space<vmem>> -> memref<112xi32, #tpu.memory_space<vmem>>
      %dma_wait3A_76 = arith.constant 0 : i32
      %dma_wait3A_77 = arith.constant 0 : i32
      %dma_wait3A_78 = tpu.memref_slice %arg9[%dma_wait3A_76, %dma_wait3A_77] : memref<64x4xf32, #tpu.memory_space<vmem_shared>> -> memref<64x4xf32, #tpu.memory_space<vmem_shared>>
      tpu.wait_indirect_dma semaphore(%run_scoped3A_60 : memref<!tpu.dma_semaphore, #tpu.memory_space<semaphore_mem>>) src(%dma_wait3A_72 : memref<112x4xf32, #tpu.memory_space<vmem>>) dst(%dma_wait3A_78 : memref<64x4xf32, #tpu.memory_space<vmem_shared>>)
      tpu.yield
    }) : () -> ()
    %run_scoped3A_43 = arith.constant 17 : i32
    "tpu.region"() ({
      %run_scoped3A_60 = tpu.sem_alloc : memref<!tpu.dma_semaphore, #tpu.memory_space<semaphore_mem>>
      %dma_start3A_61 = arith.constant 1904 : i32
      %dma_start3A_62 = arith.constant 0 : i32
      %dma_start3A_63 = tpu.memref_slice %arg6[%dma_start3A_61, %dma_start3A_62] : memref<3136x4xf32, #tpu.memory_space<vmem>> -> memref<112x4xf32, #tpu.memory_space<vmem>>
      %dma_start3A_64 = arith.constant 0 : i32
      %dma_start3A_65 = tpu.memref_slice %arg7[%run_scoped3A_43, %dma_start3A_64] : memref<28x112xi32, #tpu.memory_space<vmem>> -> memref<1x112xi32, #tpu.memory_space<vmem>>
      %dma_start3A_66 = tpu.memref_squeeze %dma_start3A_65 : memref<1x112xi32, #tpu.memory_space<vmem>> -> memref<112xi32, #tpu.memory_space<vmem>>
      %dma_start3A_67 = arith.constant 0 : i32
      %dma_start3A_68 = arith.constant 0 : i32
      %dma_start3A_69 = tpu.memref_slice %arg9[%dma_start3A_67, %dma_start3A_68] : memref<64x4xf32, #tpu.memory_space<vmem_shared>> -> memref<64x4xf32, #tpu.memory_space<vmem_shared>>
      tpu.enqueue_indirect_dma source(%dma_start3A_63 : memref<112x4xf32, #tpu.memory_space<vmem>>) target(%dma_start3A_69 : memref<64x4xf32, #tpu.memory_space<vmem_shared>>) offsets(%dma_start3A_66 : memref<112xi32, #tpu.memory_space<vmem>>) semaphore(%run_scoped3A_60 : memref<!tpu.dma_semaphore, #tpu.memory_space<semaphore_mem>>) {add = true}
      %dma_wait3A_70 = arith.constant 1904 : i32
      %dma_wait3A_71 = arith.constant 0 : i32
      %dma_wait3A_72 = tpu.memref_slice %arg6[%dma_wait3A_70, %dma_wait3A_71] : memref<3136x4xf32, #tpu.memory_space<vmem>> -> memref<112x4xf32, #tpu.memory_space<vmem>>
      %dma_wait3A_73 = arith.constant 0 : i32
      %dma_wait3A_74 = tpu.memref_slice %arg7[%run_scoped3A_43, %dma_wait3A_73] : memref<28x112xi32, #tpu.memory_space<vmem>> -> memref<1x112xi32, #tpu.memory_space<vmem>>
      %dma_wait3A_75 = tpu.memref_squeeze %dma_wait3A_74 : memref<1x112xi32, #tpu.memory_space<vmem>> -> memref<112xi32, #tpu.memory_space<vmem>>
      %dma_wait3A_76 = arith.constant 0 : i32
      %dma_wait3A_77 = arith.constant 0 : i32
      %dma_wait3A_78 = tpu.memref_slice %arg9[%dma_wait3A_76, %dma_wait3A_77] : memref<64x4xf32, #tpu.memory_space<vmem_shared>> -> memref<64x4xf32, #tpu.memory_space<vmem_shared>>
      tpu.wait_indirect_dma semaphore(%run_scoped3A_60 : memref<!tpu.dma_semaphore, #tpu.memory_space<semaphore_mem>>) src(%dma_wait3A_72 : memref<112x4xf32, #tpu.memory_space<vmem>>) dst(%dma_wait3A_78 : memref<64x4xf32, #tpu.memory_space<vmem_shared>>)
      tpu.yield
    }) : () -> ()
    %run_scoped3A_44 = arith.constant 18 : i32
    "tpu.region"() ({
      %run_scoped3A_60 = tpu.sem_alloc : memref<!tpu.dma_semaphore, #tpu.memory_space<semaphore_mem>>
      %dma_start3A_61 = arith.constant 2016 : i32
      %dma_start3A_62 = arith.constant 0 : i32
      %dma_start3A_63 = tpu.memref_slice %arg6[%dma_start3A_61, %dma_start3A_62] : memref<3136x4xf32, #tpu.memory_space<vmem>> -> memref<112x4xf32, #tpu.memory_space<vmem>>
      %dma_start3A_64 = arith.constant 0 : i32
      %dma_start3A_65 = tpu.memref_slice %arg7[%run_scoped3A_44, %dma_start3A_64] : memref<28x112xi32, #tpu.memory_space<vmem>> -> memref<1x112xi32, #tpu.memory_space<vmem>>
      %dma_start3A_66 = tpu.memref_squeeze %dma_start3A_65 : memref<1x112xi32, #tpu.memory_space<vmem>> -> memref<112xi32, #tpu.memory_space<vmem>>
      %dma_start3A_67 = arith.constant 0 : i32
      %dma_start3A_68 = arith.constant 0 : i32
      %dma_start3A_69 = tpu.memref_slice %arg9[%dma_start3A_67, %dma_start3A_68] : memref<64x4xf32, #tpu.memory_space<vmem_shared>> -> memref<64x4xf32, #tpu.memory_space<vmem_shared>>
      tpu.enqueue_indirect_dma source(%dma_start3A_63 : memref<112x4xf32, #tpu.memory_space<vmem>>) target(%dma_start3A_69 : memref<64x4xf32, #tpu.memory_space<vmem_shared>>) offsets(%dma_start3A_66 : memref<112xi32, #tpu.memory_space<vmem>>) semaphore(%run_scoped3A_60 : memref<!tpu.dma_semaphore, #tpu.memory_space<semaphore_mem>>) {add = true}
      %dma_wait3A_70 = arith.constant 2016 : i32
      %dma_wait3A_71 = arith.constant 0 : i32
      %dma_wait3A_72 = tpu.memref_slice %arg6[%dma_wait3A_70, %dma_wait3A_71] : memref<3136x4xf32, #tpu.memory_space<vmem>> -> memref<112x4xf32, #tpu.memory_space<vmem>>
      %dma_wait3A_73 = arith.constant 0 : i32
      %dma_wait3A_74 = tpu.memref_slice %arg7[%run_scoped3A_44, %dma_wait3A_73] : memref<28x112xi32, #tpu.memory_space<vmem>> -> memref<1x112xi32, #tpu.memory_space<vmem>>
      %dma_wait3A_75 = tpu.memref_squeeze %dma_wait3A_74 : memref<1x112xi32, #tpu.memory_space<vmem>> -> memref<112xi32, #tpu.memory_space<vmem>>
      %dma_wait3A_76 = arith.constant 0 : i32
      %dma_wait3A_77 = arith.constant 0 : i32
      %dma_wait3A_78 = tpu.memref_slice %arg9[%dma_wait3A_76, %dma_wait3A_77] : memref<64x4xf32, #tpu.memory_space<vmem_shared>> -> memref<64x4xf32, #tpu.memory_space<vmem_shared>>
      tpu.wait_indirect_dma semaphore(%run_scoped3A_60 : memref<!tpu.dma_semaphore, #tpu.memory_space<semaphore_mem>>) src(%dma_wait3A_72 : memref<112x4xf32, #tpu.memory_space<vmem>>) dst(%dma_wait3A_78 : memref<64x4xf32, #tpu.memory_space<vmem_shared>>)
      tpu.yield
    }) : () -> ()
    %run_scoped3A_45 = arith.constant 19 : i32
    "tpu.region"() ({
      %run_scoped3A_60 = tpu.sem_alloc : memref<!tpu.dma_semaphore, #tpu.memory_space<semaphore_mem>>
      %dma_start3A_61 = arith.constant 2128 : i32
      %dma_start3A_62 = arith.constant 0 : i32
      %dma_start3A_63 = tpu.memref_slice %arg6[%dma_start3A_61, %dma_start3A_62] : memref<3136x4xf32, #tpu.memory_space<vmem>> -> memref<112x4xf32, #tpu.memory_space<vmem>>
      %dma_start3A_64 = arith.constant 0 : i32
      %dma_start3A_65 = tpu.memref_slice %arg7[%run_scoped3A_45, %dma_start3A_64] : memref<28x112xi32, #tpu.memory_space<vmem>> -> memref<1x112xi32, #tpu.memory_space<vmem>>
      %dma_start3A_66 = tpu.memref_squeeze %dma_start3A_65 : memref<1x112xi32, #tpu.memory_space<vmem>> -> memref<112xi32, #tpu.memory_space<vmem>>
      %dma_start3A_67 = arith.constant 0 : i32
      %dma_start3A_68 = arith.constant 0 : i32
      %dma_start3A_69 = tpu.memref_slice %arg9[%dma_start3A_67, %dma_start3A_68] : memref<64x4xf32, #tpu.memory_space<vmem_shared>> -> memref<64x4xf32, #tpu.memory_space<vmem_shared>>
      tpu.enqueue_indirect_dma source(%dma_start3A_63 : memref<112x4xf32, #tpu.memory_space<vmem>>) target(%dma_start3A_69 : memref<64x4xf32, #tpu.memory_space<vmem_shared>>) offsets(%dma_start3A_66 : memref<112xi32, #tpu.memory_space<vmem>>) semaphore(%run_scoped3A_60 : memref<!tpu.dma_semaphore, #tpu.memory_space<semaphore_mem>>) {add = true}
      %dma_wait3A_70 = arith.constant 2128 : i32
      %dma_wait3A_71 = arith.constant 0 : i32
      %dma_wait3A_72 = tpu.memref_slice %arg6[%dma_wait3A_70, %dma_wait3A_71] : memref<3136x4xf32, #tpu.memory_space<vmem>> -> memref<112x4xf32, #tpu.memory_space<vmem>>
      %dma_wait3A_73 = arith.constant 0 : i32
      %dma_wait3A_74 = tpu.memref_slice %arg7[%run_scoped3A_45, %dma_wait3A_73] : memref<28x112xi32, #tpu.memory_space<vmem>> -> memref<1x112xi32, #tpu.memory_space<vmem>>
      %dma_wait3A_75 = tpu.memref_squeeze %dma_wait3A_74 : memref<1x112xi32, #tpu.memory_space<vmem>> -> memref<112xi32, #tpu.memory_space<vmem>>
      %dma_wait3A_76 = arith.constant 0 : i32
      %dma_wait3A_77 = arith.constant 0 : i32
      %dma_wait3A_78 = tpu.memref_slice %arg9[%dma_wait3A_76, %dma_wait3A_77] : memref<64x4xf32, #tpu.memory_space<vmem_shared>> -> memref<64x4xf32, #tpu.memory_space<vmem_shared>>
      tpu.wait_indirect_dma semaphore(%run_scoped3A_60 : memref<!tpu.dma_semaphore, #tpu.memory_space<semaphore_mem>>) src(%dma_wait3A_72 : memref<112x4xf32, #tpu.memory_space<vmem>>) dst(%dma_wait3A_78 : memref<64x4xf32, #tpu.memory_space<vmem_shared>>)
      tpu.yield
    }) : () -> ()
    %run_scoped3A_46 = arith.constant 20 : i32
    "tpu.region"() ({
      %run_scoped3A_60 = tpu.sem_alloc : memref<!tpu.dma_semaphore, #tpu.memory_space<semaphore_mem>>
      %dma_start3A_61 = arith.constant 2240 : i32
      %dma_start3A_62 = arith.constant 0 : i32
      %dma_start3A_63 = tpu.memref_slice %arg6[%dma_start3A_61, %dma_start3A_62] : memref<3136x4xf32, #tpu.memory_space<vmem>> -> memref<112x4xf32, #tpu.memory_space<vmem>>
      %dma_start3A_64 = arith.constant 0 : i32
      %dma_start3A_65 = tpu.memref_slice %arg7[%run_scoped3A_46, %dma_start3A_64] : memref<28x112xi32, #tpu.memory_space<vmem>> -> memref<1x112xi32, #tpu.memory_space<vmem>>
      %dma_start3A_66 = tpu.memref_squeeze %dma_start3A_65 : memref<1x112xi32, #tpu.memory_space<vmem>> -> memref<112xi32, #tpu.memory_space<vmem>>
      %dma_start3A_67 = arith.constant 0 : i32
      %dma_start3A_68 = arith.constant 0 : i32
      %dma_start3A_69 = tpu.memref_slice %arg9[%dma_start3A_67, %dma_start3A_68] : memref<64x4xf32, #tpu.memory_space<vmem_shared>> -> memref<64x4xf32, #tpu.memory_space<vmem_shared>>
      tpu.enqueue_indirect_dma source(%dma_start3A_63 : memref<112x4xf32, #tpu.memory_space<vmem>>) target(%dma_start3A_69 : memref<64x4xf32, #tpu.memory_space<vmem_shared>>) offsets(%dma_start3A_66 : memref<112xi32, #tpu.memory_space<vmem>>) semaphore(%run_scoped3A_60 : memref<!tpu.dma_semaphore, #tpu.memory_space<semaphore_mem>>) {add = true}
      %dma_wait3A_70 = arith.constant 2240 : i32
      %dma_wait3A_71 = arith.constant 0 : i32
      %dma_wait3A_72 = tpu.memref_slice %arg6[%dma_wait3A_70, %dma_wait3A_71] : memref<3136x4xf32, #tpu.memory_space<vmem>> -> memref<112x4xf32, #tpu.memory_space<vmem>>
      %dma_wait3A_73 = arith.constant 0 : i32
      %dma_wait3A_74 = tpu.memref_slice %arg7[%run_scoped3A_46, %dma_wait3A_73] : memref<28x112xi32, #tpu.memory_space<vmem>> -> memref<1x112xi32, #tpu.memory_space<vmem>>
      %dma_wait3A_75 = tpu.memref_squeeze %dma_wait3A_74 : memref<1x112xi32, #tpu.memory_space<vmem>> -> memref<112xi32, #tpu.memory_space<vmem>>
      %dma_wait3A_76 = arith.constant 0 : i32
      %dma_wait3A_77 = arith.constant 0 : i32
      %dma_wait3A_78 = tpu.memref_slice %arg9[%dma_wait3A_76, %dma_wait3A_77] : memref<64x4xf32, #tpu.memory_space<vmem_shared>> -> memref<64x4xf32, #tpu.memory_space<vmem_shared>>
      tpu.wait_indirect_dma semaphore(%run_scoped3A_60 : memref<!tpu.dma_semaphore, #tpu.memory_space<semaphore_mem>>) src(%dma_wait3A_72 : memref<112x4xf32, #tpu.memory_space<vmem>>) dst(%dma_wait3A_78 : memref<64x4xf32, #tpu.memory_space<vmem_shared>>)
      tpu.yield
    }) : () -> ()
    %run_scoped3A_47 = arith.constant 21 : i32
    "tpu.region"() ({
      %run_scoped3A_60 = tpu.sem_alloc : memref<!tpu.dma_semaphore, #tpu.memory_space<semaphore_mem>>
      %dma_start3A_61 = arith.constant 2352 : i32
      %dma_start3A_62 = arith.constant 0 : i32
      %dma_start3A_63 = tpu.memref_slice %arg6[%dma_start3A_61, %dma_start3A_62] : memref<3136x4xf32, #tpu.memory_space<vmem>> -> memref<112x4xf32, #tpu.memory_space<vmem>>
      %dma_start3A_64 = arith.constant 0 : i32
      %dma_start3A_65 = tpu.memref_slice %arg7[%run_scoped3A_47, %dma_start3A_64] : memref<28x112xi32, #tpu.memory_space<vmem>> -> memref<1x112xi32, #tpu.memory_space<vmem>>
      %dma_start3A_66 = tpu.memref_squeeze %dma_start3A_65 : memref<1x112xi32, #tpu.memory_space<vmem>> -> memref<112xi32, #tpu.memory_space<vmem>>
      %dma_start3A_67 = arith.constant 0 : i32
      %dma_start3A_68 = arith.constant 0 : i32
      %dma_start3A_69 = tpu.memref_slice %arg9[%dma_start3A_67, %dma_start3A_68] : memref<64x4xf32, #tpu.memory_space<vmem_shared>> -> memref<64x4xf32, #tpu.memory_space<vmem_shared>>
      tpu.enqueue_indirect_dma source(%dma_start3A_63 : memref<112x4xf32, #tpu.memory_space<vmem>>) target(%dma_start3A_69 : memref<64x4xf32, #tpu.memory_space<vmem_shared>>) offsets(%dma_start3A_66 : memref<112xi32, #tpu.memory_space<vmem>>) semaphore(%run_scoped3A_60 : memref<!tpu.dma_semaphore, #tpu.memory_space<semaphore_mem>>) {add = true}
      %dma_wait3A_70 = arith.constant 2352 : i32
      %dma_wait3A_71 = arith.constant 0 : i32
      %dma_wait3A_72 = tpu.memref_slice %arg6[%dma_wait3A_70, %dma_wait3A_71] : memref<3136x4xf32, #tpu.memory_space<vmem>> -> memref<112x4xf32, #tpu.memory_space<vmem>>
      %dma_wait3A_73 = arith.constant 0 : i32
      %dma_wait3A_74 = tpu.memref_slice %arg7[%run_scoped3A_47, %dma_wait3A_73] : memref<28x112xi32, #tpu.memory_space<vmem>> -> memref<1x112xi32, #tpu.memory_space<vmem>>
      %dma_wait3A_75 = tpu.memref_squeeze %dma_wait3A_74 : memref<1x112xi32, #tpu.memory_space<vmem>> -> memref<112xi32, #tpu.memory_space<vmem>>
      %dma_wait3A_76 = arith.constant 0 : i32
      %dma_wait3A_77 = arith.constant 0 : i32
      %dma_wait3A_78 = tpu.memref_slice %arg9[%dma_wait3A_76, %dma_wait3A_77] : memref<64x4xf32, #tpu.memory_space<vmem_shared>> -> memref<64x4xf32, #tpu.memory_space<vmem_shared>>
      tpu.wait_indirect_dma semaphore(%run_scoped3A_60 : memref<!tpu.dma_semaphore, #tpu.memory_space<semaphore_mem>>) src(%dma_wait3A_72 : memref<112x4xf32, #tpu.memory_space<vmem>>) dst(%dma_wait3A_78 : memref<64x4xf32, #tpu.memory_space<vmem_shared>>)
      tpu.yield
    }) : () -> ()
    %run_scoped3A_48 = arith.constant 22 : i32
    "tpu.region"() ({
      %run_scoped3A_60 = tpu.sem_alloc : memref<!tpu.dma_semaphore, #tpu.memory_space<semaphore_mem>>
      %dma_start3A_61 = arith.constant 2464 : i32
      %dma_start3A_62 = arith.constant 0 : i32
      %dma_start3A_63 = tpu.memref_slice %arg6[%dma_start3A_61, %dma_start3A_62] : memref<3136x4xf32, #tpu.memory_space<vmem>> -> memref<112x4xf32, #tpu.memory_space<vmem>>
      %dma_start3A_64 = arith.constant 0 : i32
      %dma_start3A_65 = tpu.memref_slice %arg7[%run_scoped3A_48, %dma_start3A_64] : memref<28x112xi32, #tpu.memory_space<vmem>> -> memref<1x112xi32, #tpu.memory_space<vmem>>
      %dma_start3A_66 = tpu.memref_squeeze %dma_start3A_65 : memref<1x112xi32, #tpu.memory_space<vmem>> -> memref<112xi32, #tpu.memory_space<vmem>>
      %dma_start3A_67 = arith.constant 0 : i32
      %dma_start3A_68 = arith.constant 0 : i32
      %dma_start3A_69 = tpu.memref_slice %arg9[%dma_start3A_67, %dma_start3A_68] : memref<64x4xf32, #tpu.memory_space<vmem_shared>> -> memref<64x4xf32, #tpu.memory_space<vmem_shared>>
      tpu.enqueue_indirect_dma source(%dma_start3A_63 : memref<112x4xf32, #tpu.memory_space<vmem>>) target(%dma_start3A_69 : memref<64x4xf32, #tpu.memory_space<vmem_shared>>) offsets(%dma_start3A_66 : memref<112xi32, #tpu.memory_space<vmem>>) semaphore(%run_scoped3A_60 : memref<!tpu.dma_semaphore, #tpu.memory_space<semaphore_mem>>) {add = true}
      %dma_wait3A_70 = arith.constant 2464 : i32
      %dma_wait3A_71 = arith.constant 0 : i32
      %dma_wait3A_72 = tpu.memref_slice %arg6[%dma_wait3A_70, %dma_wait3A_71] : memref<3136x4xf32, #tpu.memory_space<vmem>> -> memref<112x4xf32, #tpu.memory_space<vmem>>
      %dma_wait3A_73 = arith.constant 0 : i32
      %dma_wait3A_74 = tpu.memref_slice %arg7[%run_scoped3A_48, %dma_wait3A_73] : memref<28x112xi32, #tpu.memory_space<vmem>> -> memref<1x112xi32, #tpu.memory_space<vmem>>
      %dma_wait3A_75 = tpu.memref_squeeze %dma_wait3A_74 : memref<1x112xi32, #tpu.memory_space<vmem>> -> memref<112xi32, #tpu.memory_space<vmem>>
      %dma_wait3A_76 = arith.constant 0 : i32
      %dma_wait3A_77 = arith.constant 0 : i32
      %dma_wait3A_78 = tpu.memref_slice %arg9[%dma_wait3A_76, %dma_wait3A_77] : memref<64x4xf32, #tpu.memory_space<vmem_shared>> -> memref<64x4xf32, #tpu.memory_space<vmem_shared>>
      tpu.wait_indirect_dma semaphore(%run_scoped3A_60 : memref<!tpu.dma_semaphore, #tpu.memory_space<semaphore_mem>>) src(%dma_wait3A_72 : memref<112x4xf32, #tpu.memory_space<vmem>>) dst(%dma_wait3A_78 : memref<64x4xf32, #tpu.memory_space<vmem_shared>>)
      tpu.yield
    }) : () -> ()
    %run_scoped3A_49 = arith.constant 23 : i32
    "tpu.region"() ({
      %run_scoped3A_60 = tpu.sem_alloc : memref<!tpu.dma_semaphore, #tpu.memory_space<semaphore_mem>>
      %dma_start3A_61 = arith.constant 2576 : i32
      %dma_start3A_62 = arith.constant 0 : i32
      %dma_start3A_63 = tpu.memref_slice %arg6[%dma_start3A_61, %dma_start3A_62] : memref<3136x4xf32, #tpu.memory_space<vmem>> -> memref<112x4xf32, #tpu.memory_space<vmem>>
      %dma_start3A_64 = arith.constant 0 : i32
      %dma_start3A_65 = tpu.memref_slice %arg7[%run_scoped3A_49, %dma_start3A_64] : memref<28x112xi32, #tpu.memory_space<vmem>> -> memref<1x112xi32, #tpu.memory_space<vmem>>
      %dma_start3A_66 = tpu.memref_squeeze %dma_start3A_65 : memref<1x112xi32, #tpu.memory_space<vmem>> -> memref<112xi32, #tpu.memory_space<vmem>>
      %dma_start3A_67 = arith.constant 0 : i32
      %dma_start3A_68 = arith.constant 0 : i32
      %dma_start3A_69 = tpu.memref_slice %arg9[%dma_start3A_67, %dma_start3A_68] : memref<64x4xf32, #tpu.memory_space<vmem_shared>> -> memref<64x4xf32, #tpu.memory_space<vmem_shared>>
      tpu.enqueue_indirect_dma source(%dma_start3A_63 : memref<112x4xf32, #tpu.memory_space<vmem>>) target(%dma_start3A_69 : memref<64x4xf32, #tpu.memory_space<vmem_shared>>) offsets(%dma_start3A_66 : memref<112xi32, #tpu.memory_space<vmem>>) semaphore(%run_scoped3A_60 : memref<!tpu.dma_semaphore, #tpu.memory_space<semaphore_mem>>) {add = true}
      %dma_wait3A_70 = arith.constant 2576 : i32
      %dma_wait3A_71 = arith.constant 0 : i32
      %dma_wait3A_72 = tpu.memref_slice %arg6[%dma_wait3A_70, %dma_wait3A_71] : memref<3136x4xf32, #tpu.memory_space<vmem>> -> memref<112x4xf32, #tpu.memory_space<vmem>>
      %dma_wait3A_73 = arith.constant 0 : i32
      %dma_wait3A_74 = tpu.memref_slice %arg7[%run_scoped3A_49, %dma_wait3A_73] : memref<28x112xi32, #tpu.memory_space<vmem>> -> memref<1x112xi32, #tpu.memory_space<vmem>>
      %dma_wait3A_75 = tpu.memref_squeeze %dma_wait3A_74 : memref<1x112xi32, #tpu.memory_space<vmem>> -> memref<112xi32, #tpu.memory_space<vmem>>
      %dma_wait3A_76 = arith.constant 0 : i32
      %dma_wait3A_77 = arith.constant 0 : i32
      %dma_wait3A_78 = tpu.memref_slice %arg9[%dma_wait3A_76, %dma_wait3A_77] : memref<64x4xf32, #tpu.memory_space<vmem_shared>> -> memref<64x4xf32, #tpu.memory_space<vmem_shared>>
      tpu.wait_indirect_dma semaphore(%run_scoped3A_60 : memref<!tpu.dma_semaphore, #tpu.memory_space<semaphore_mem>>) src(%dma_wait3A_72 : memref<112x4xf32, #tpu.memory_space<vmem>>) dst(%dma_wait3A_78 : memref<64x4xf32, #tpu.memory_space<vmem_shared>>)
      tpu.yield
    }) : () -> ()
    %run_scoped3A_50 = arith.constant 24 : i32
    "tpu.region"() ({
      %run_scoped3A_60 = tpu.sem_alloc : memref<!tpu.dma_semaphore, #tpu.memory_space<semaphore_mem>>
      %dma_start3A_61 = arith.constant 2688 : i32
      %dma_start3A_62 = arith.constant 0 : i32
      %dma_start3A_63 = tpu.memref_slice %arg6[%dma_start3A_61, %dma_start3A_62] : memref<3136x4xf32, #tpu.memory_space<vmem>> -> memref<112x4xf32, #tpu.memory_space<vmem>>
      %dma_start3A_64 = arith.constant 0 : i32
      %dma_start3A_65 = tpu.memref_slice %arg7[%run_scoped3A_50, %dma_start3A_64] : memref<28x112xi32, #tpu.memory_space<vmem>> -> memref<1x112xi32, #tpu.memory_space<vmem>>
      %dma_start3A_66 = tpu.memref_squeeze %dma_start3A_65 : memref<1x112xi32, #tpu.memory_space<vmem>> -> memref<112xi32, #tpu.memory_space<vmem>>
      %dma_start3A_67 = arith.constant 0 : i32
      %dma_start3A_68 = arith.constant 0 : i32
      %dma_start3A_69 = tpu.memref_slice %arg9[%dma_start3A_67, %dma_start3A_68] : memref<64x4xf32, #tpu.memory_space<vmem_shared>> -> memref<64x4xf32, #tpu.memory_space<vmem_shared>>
      tpu.enqueue_indirect_dma source(%dma_start3A_63 : memref<112x4xf32, #tpu.memory_space<vmem>>) target(%dma_start3A_69 : memref<64x4xf32, #tpu.memory_space<vmem_shared>>) offsets(%dma_start3A_66 : memref<112xi32, #tpu.memory_space<vmem>>) semaphore(%run_scoped3A_60 : memref<!tpu.dma_semaphore, #tpu.memory_space<semaphore_mem>>) {add = true}
      %dma_wait3A_70 = arith.constant 2688 : i32
      %dma_wait3A_71 = arith.constant 0 : i32
      %dma_wait3A_72 = tpu.memref_slice %arg6[%dma_wait3A_70, %dma_wait3A_71] : memref<3136x4xf32, #tpu.memory_space<vmem>> -> memref<112x4xf32, #tpu.memory_space<vmem>>
      %dma_wait3A_73 = arith.constant 0 : i32
      %dma_wait3A_74 = tpu.memref_slice %arg7[%run_scoped3A_50, %dma_wait3A_73] : memref<28x112xi32, #tpu.memory_space<vmem>> -> memref<1x112xi32, #tpu.memory_space<vmem>>
      %dma_wait3A_75 = tpu.memref_squeeze %dma_wait3A_74 : memref<1x112xi32, #tpu.memory_space<vmem>> -> memref<112xi32, #tpu.memory_space<vmem>>
      %dma_wait3A_76 = arith.constant 0 : i32
      %dma_wait3A_77 = arith.constant 0 : i32
      %dma_wait3A_78 = tpu.memref_slice %arg9[%dma_wait3A_76, %dma_wait3A_77] : memref<64x4xf32, #tpu.memory_space<vmem_shared>> -> memref<64x4xf32, #tpu.memory_space<vmem_shared>>
      tpu.wait_indirect_dma semaphore(%run_scoped3A_60 : memref<!tpu.dma_semaphore, #tpu.memory_space<semaphore_mem>>) src(%dma_wait3A_72 : memref<112x4xf32, #tpu.memory_space<vmem>>) dst(%dma_wait3A_78 : memref<64x4xf32, #tpu.memory_space<vmem_shared>>)
      tpu.yield
    }) : () -> ()
    %run_scoped3A_51 = arith.constant 25 : i32
    "tpu.region"() ({
      %run_scoped3A_60 = tpu.sem_alloc : memref<!tpu.dma_semaphore, #tpu.memory_space<semaphore_mem>>
      %dma_start3A_61 = arith.constant 2800 : i32
      %dma_start3A_62 = arith.constant 0 : i32
      %dma_start3A_63 = tpu.memref_slice %arg6[%dma_start3A_61, %dma_start3A_62] : memref<3136x4xf32, #tpu.memory_space<vmem>> -> memref<112x4xf32, #tpu.memory_space<vmem>>
      %dma_start3A_64 = arith.constant 0 : i32
      %dma_start3A_65 = tpu.memref_slice %arg7[%run_scoped3A_51, %dma_start3A_64] : memref<28x112xi32, #tpu.memory_space<vmem>> -> memref<1x112xi32, #tpu.memory_space<vmem>>
      %dma_start3A_66 = tpu.memref_squeeze %dma_start3A_65 : memref<1x112xi32, #tpu.memory_space<vmem>> -> memref<112xi32, #tpu.memory_space<vmem>>
      %dma_start3A_67 = arith.constant 0 : i32
      %dma_start3A_68 = arith.constant 0 : i32
      %dma_start3A_69 = tpu.memref_slice %arg9[%dma_start3A_67, %dma_start3A_68] : memref<64x4xf32, #tpu.memory_space<vmem_shared>> -> memref<64x4xf32, #tpu.memory_space<vmem_shared>>
      tpu.enqueue_indirect_dma source(%dma_start3A_63 : memref<112x4xf32, #tpu.memory_space<vmem>>) target(%dma_start3A_69 : memref<64x4xf32, #tpu.memory_space<vmem_shared>>) offsets(%dma_start3A_66 : memref<112xi32, #tpu.memory_space<vmem>>) semaphore(%run_scoped3A_60 : memref<!tpu.dma_semaphore, #tpu.memory_space<semaphore_mem>>) {add = true}
      %dma_wait3A_70 = arith.constant 2800 : i32
      %dma_wait3A_71 = arith.constant 0 : i32
      %dma_wait3A_72 = tpu.memref_slice %arg6[%dma_wait3A_70, %dma_wait3A_71] : memref<3136x4xf32, #tpu.memory_space<vmem>> -> memref<112x4xf32, #tpu.memory_space<vmem>>
      %dma_wait3A_73 = arith.constant 0 : i32
      %dma_wait3A_74 = tpu.memref_slice %arg7[%run_scoped3A_51, %dma_wait3A_73] : memref<28x112xi32, #tpu.memory_space<vmem>> -> memref<1x112xi32, #tpu.memory_space<vmem>>
      %dma_wait3A_75 = tpu.memref_squeeze %dma_wait3A_74 : memref<1x112xi32, #tpu.memory_space<vmem>> -> memref<112xi32, #tpu.memory_space<vmem>>
      %dma_wait3A_76 = arith.constant 0 : i32
      %dma_wait3A_77 = arith.constant 0 : i32
      %dma_wait3A_78 = tpu.memref_slice %arg9[%dma_wait3A_76, %dma_wait3A_77] : memref<64x4xf32, #tpu.memory_space<vmem_shared>> -> memref<64x4xf32, #tpu.memory_space<vmem_shared>>
      tpu.wait_indirect_dma semaphore(%run_scoped3A_60 : memref<!tpu.dma_semaphore, #tpu.memory_space<semaphore_mem>>) src(%dma_wait3A_72 : memref<112x4xf32, #tpu.memory_space<vmem>>) dst(%dma_wait3A_78 : memref<64x4xf32, #tpu.memory_space<vmem_shared>>)
      tpu.yield
    }) : () -> ()
    %run_scoped3A_52 = arith.constant 26 : i32
    "tpu.region"() ({
      %run_scoped3A_60 = tpu.sem_alloc : memref<!tpu.dma_semaphore, #tpu.memory_space<semaphore_mem>>
      %dma_start3A_61 = arith.constant 2912 : i32
      %dma_start3A_62 = arith.constant 0 : i32
      %dma_start3A_63 = tpu.memref_slice %arg6[%dma_start3A_61, %dma_start3A_62] : memref<3136x4xf32, #tpu.memory_space<vmem>> -> memref<112x4xf32, #tpu.memory_space<vmem>>
      %dma_start3A_64 = arith.constant 0 : i32
      %dma_start3A_65 = tpu.memref_slice %arg7[%run_scoped3A_52, %dma_start3A_64] : memref<28x112xi32, #tpu.memory_space<vmem>> -> memref<1x112xi32, #tpu.memory_space<vmem>>
      %dma_start3A_66 = tpu.memref_squeeze %dma_start3A_65 : memref<1x112xi32, #tpu.memory_space<vmem>> -> memref<112xi32, #tpu.memory_space<vmem>>
      %dma_start3A_67 = arith.constant 0 : i32
      %dma_start3A_68 = arith.constant 0 : i32
      %dma_start3A_69 = tpu.memref_slice %arg9[%dma_start3A_67, %dma_start3A_68] : memref<64x4xf32, #tpu.memory_space<vmem_shared>> -> memref<64x4xf32, #tpu.memory_space<vmem_shared>>
      tpu.enqueue_indirect_dma source(%dma_start3A_63 : memref<112x4xf32, #tpu.memory_space<vmem>>) target(%dma_start3A_69 : memref<64x4xf32, #tpu.memory_space<vmem_shared>>) offsets(%dma_start3A_66 : memref<112xi32, #tpu.memory_space<vmem>>) semaphore(%run_scoped3A_60 : memref<!tpu.dma_semaphore, #tpu.memory_space<semaphore_mem>>) {add = true}
      %dma_wait3A_70 = arith.constant 2912 : i32
      %dma_wait3A_71 = arith.constant 0 : i32
      %dma_wait3A_72 = tpu.memref_slice %arg6[%dma_wait3A_70, %dma_wait3A_71] : memref<3136x4xf32, #tpu.memory_space<vmem>> -> memref<112x4xf32, #tpu.memory_space<vmem>>
      %dma_wait3A_73 = arith.constant 0 : i32
      %dma_wait3A_74 = tpu.memref_slice %arg7[%run_scoped3A_52, %dma_wait3A_73] : memref<28x112xi32, #tpu.memory_space<vmem>> -> memref<1x112xi32, #tpu.memory_space<vmem>>
      %dma_wait3A_75 = tpu.memref_squeeze %dma_wait3A_74 : memref<1x112xi32, #tpu.memory_space<vmem>> -> memref<112xi32, #tpu.memory_space<vmem>>
      %dma_wait3A_76 = arith.constant 0 : i32
      %dma_wait3A_77 = arith.constant 0 : i32
      %dma_wait3A_78 = tpu.memref_slice %arg9[%dma_wait3A_76, %dma_wait3A_77] : memref<64x4xf32, #tpu.memory_space<vmem_shared>> -> memref<64x4xf32, #tpu.memory_space<vmem_shared>>
      tpu.wait_indirect_dma semaphore(%run_scoped3A_60 : memref<!tpu.dma_semaphore, #tpu.memory_space<semaphore_mem>>) src(%dma_wait3A_72 : memref<112x4xf32, #tpu.memory_space<vmem>>) dst(%dma_wait3A_78 : memref<64x4xf32, #tpu.memory_space<vmem_shared>>)
      tpu.yield
    }) : () -> ()
    %run_scoped3A_53 = arith.constant 27 : i32
    "tpu.region"() ({
      %run_scoped3A_60 = tpu.sem_alloc : memref<!tpu.dma_semaphore, #tpu.memory_space<semaphore_mem>>
      %dma_start3A_61 = arith.constant 3024 : i32
      %dma_start3A_62 = arith.constant 0 : i32
      %dma_start3A_63 = tpu.memref_slice %arg6[%dma_start3A_61, %dma_start3A_62] : memref<3136x4xf32, #tpu.memory_space<vmem>> -> memref<112x4xf32, #tpu.memory_space<vmem>>
      %dma_start3A_64 = arith.constant 0 : i32
      %dma_start3A_65 = tpu.memref_slice %arg7[%run_scoped3A_53, %dma_start3A_64] : memref<28x112xi32, #tpu.memory_space<vmem>> -> memref<1x112xi32, #tpu.memory_space<vmem>>
      %dma_start3A_66 = tpu.memref_squeeze %dma_start3A_65 : memref<1x112xi32, #tpu.memory_space<vmem>> -> memref<112xi32, #tpu.memory_space<vmem>>
      %dma_start3A_67 = arith.constant 0 : i32
      %dma_start3A_68 = arith.constant 0 : i32
      %dma_start3A_69 = tpu.memref_slice %arg9[%dma_start3A_67, %dma_start3A_68] : memref<64x4xf32, #tpu.memory_space<vmem_shared>> -> memref<64x4xf32, #tpu.memory_space<vmem_shared>>
      tpu.enqueue_indirect_dma source(%dma_start3A_63 : memref<112x4xf32, #tpu.memory_space<vmem>>) target(%dma_start3A_69 : memref<64x4xf32, #tpu.memory_space<vmem_shared>>) offsets(%dma_start3A_66 : memref<112xi32, #tpu.memory_space<vmem>>) semaphore(%run_scoped3A_60 : memref<!tpu.dma_semaphore, #tpu.memory_space<semaphore_mem>>) {add = true}
      %dma_wait3A_70 = arith.constant 3024 : i32
      %dma_wait3A_71 = arith.constant 0 : i32
      %dma_wait3A_72 = tpu.memref_slice %arg6[%dma_wait3A_70, %dma_wait3A_71] : memref<3136x4xf32, #tpu.memory_space<vmem>> -> memref<112x4xf32, #tpu.memory_space<vmem>>
      %dma_wait3A_73 = arith.constant 0 : i32
      %dma_wait3A_74 = tpu.memref_slice %arg7[%run_scoped3A_53, %dma_wait3A_73] : memref<28x112xi32, #tpu.memory_space<vmem>> -> memref<1x112xi32, #tpu.memory_space<vmem>>
      %dma_wait3A_75 = tpu.memref_squeeze %dma_wait3A_74 : memref<1x112xi32, #tpu.memory_space<vmem>> -> memref<112xi32, #tpu.memory_space<vmem>>
      %dma_wait3A_76 = arith.constant 0 : i32
      %dma_wait3A_77 = arith.constant 0 : i32
      %dma_wait3A_78 = tpu.memref_slice %arg9[%dma_wait3A_76, %dma_wait3A_77] : memref<64x4xf32, #tpu.memory_space<vmem_shared>> -> memref<64x4xf32, #tpu.memory_space<vmem_shared>>
      tpu.wait_indirect_dma semaphore(%run_scoped3A_60 : memref<!tpu.dma_semaphore, #tpu.memory_space<semaphore_mem>>) src(%dma_wait3A_72 : memref<112x4xf32, #tpu.memory_space<vmem>>) dst(%dma_wait3A_78 : memref<64x4xf32, #tpu.memory_space<vmem_shared>>)
      tpu.yield
    }) : () -> ()
    %barrier3A_54 = arith.constant 0 : index
    tpu.barrier barrier_id(%barrier3A_54)
    %eq3A_55 = arith.constant 0 : i32
    %eq3A_56 = arith.cmpi eq, %arg1, %eq3A_55 : i32
    %convert_element_type3A_57 = arith.extui %eq3A_56 : i1 to i32
    %cond3A_58 = arith.constant 0 : i32
    %cond3A_59 = arith.cmpi ne, %convert_element_type3A_57, %cond3A_58 : i32
    scf.if %cond3A_59 {
      "tpu.region"() ({
        %run_scoped3A_60 = tpu.sem_alloc : memref<!tpu.dma_semaphore, #tpu.memory_space<semaphore_mem>>
        tpu.enqueue_dma source(%arg9 : memref<64x4xf32, #tpu.memory_space<vmem_shared>>) target(%arg8 : memref<64x4xf32, #tpu.memory_space<vmem>>) target_semaphore(%run_scoped3A_60 : memref<!tpu.dma_semaphore, #tpu.memory_space<semaphore_mem>>)
        tpu.wait_dma2 semaphore(%run_scoped3A_60 : memref<!tpu.dma_semaphore, #tpu.memory_space<semaphore_mem>>) src(%arg9 : memref<64x4xf32, #tpu.memory_space<vmem_shared>>) dst(%arg8 : memref<64x4xf32, #tpu.memory_space<vmem>>)
        tpu.yield
      }) : () -> ()
      "tpu.region"() ({
        %run_scoped3A_60 = tpu.sem_alloc : memref<!tpu.dma_semaphore, #tpu.memory_space<semaphore_mem>>
        %dma_start3A_61 = arith.constant 0 : i32
        %dma_start3A_62 = arith.constant 0 : i32
        %dma_start3A_63 = tpu.memref_slice %arg5[%arg0, %dma_start3A_61, %dma_start3A_62] : memref<2x64x4xf32, #tpu.memory_space<hbm>> -> memref<1x64x4xf32, #tpu.memory_space<hbm>>
        %dma_start3A_64 = tpu.memref_squeeze %dma_start3A_63 : memref<1x64x4xf32, #tpu.memory_space<hbm>> -> memref<64x4xf32, #tpu.memory_space<hbm>>
        %dma_start3A_65 = arith.constant 0 : i32
        %dma_start3A_66 = arith.constant 0 : i32
        %dma_start3A_67 = tpu.memref_slice %arg5[%arg0, %dma_start3A_65, %dma_start3A_66] : memref<2x64x4xf32, #tpu.memory_space<hbm>> -> memref<1x64x4xf32, #tpu.memory_space<hbm>>
        %dma_start3A_68 = tpu.memref_squeeze %dma_start3A_67 : memref<1x64x4xf32, #tpu.memory_space<hbm>> -> memref<64x4xf32, #tpu.memory_space<hbm>>
        tpu.enqueue_dma source(%arg8 : memref<64x4xf32, #tpu.memory_space<vmem>>) target(%dma_start3A_68 : memref<64x4xf32, #tpu.memory_space<hbm>>) target_semaphore(%run_scoped3A_60 : memref<!tpu.dma_semaphore, #tpu.memory_space<semaphore_mem>>)
        %dma_wait3A_69 = arith.constant 0 : i32
        %dma_wait3A_70 = arith.constant 0 : i32
        %dma_wait3A_71 = tpu.memref_slice %arg5[%arg0, %dma_wait3A_69, %dma_wait3A_70] : memref<2x64x4xf32, #tpu.memory_space<hbm>> -> memref<1x64x4xf32, #tpu.memory_space<hbm>>
        %dma_wait3A_72 = tpu.memref_squeeze %dma_wait3A_71 : memref<1x64x4xf32, #tpu.memory_space<hbm>> -> memref<64x4xf32, #tpu.memory_space<hbm>>
        %dma_wait3A_73 = arith.constant 0 : i32
        %dma_wait3A_74 = arith.constant 0 : i32
        %dma_wait3A_75 = tpu.memref_slice %arg5[%arg0, %dma_wait3A_73, %dma_wait3A_74] : memref<2x64x4xf32, #tpu.memory_space<hbm>> -> memref<1x64x4xf32, #tpu.memory_space<hbm>>
        %dma_wait3A_76 = tpu.memref_squeeze %dma_wait3A_75 : memref<1x64x4xf32, #tpu.memory_space<hbm>> -> memref<64x4xf32, #tpu.memory_space<hbm>>
        tpu.wait_dma2 semaphore(%run_scoped3A_60 : memref<!tpu.dma_semaphore, #tpu.memory_space<semaphore_mem>>) src(%arg8 : memref<64x4xf32, #tpu.memory_space<vmem>>) dst(%dma_wait3A_76 : memref<64x4xf32, #tpu.memory_space<hbm>>)
        tpu.yield
      }) : () -> ()
    } else {
    }
    return
  }
}

module attributes {stable_mosaic.version = 14 : i64} {
  func.func @_tc_body(%arg0: i32, %arg1: memref<2x64x4xf32, #tpu.memory_space<vmem>>, %arg2: memref<3x1x1x2000xf32, #tpu.memory_space<vmem>>, %arg3: memref<2000x256xf32, #tpu.memory_space<vmem>>, %arg4: memref<1x1x2000xf32, #tpu.memory_space<vmem>>, %arg5: memref<1x1x2000xi32, #tpu.memory_space<smem>>, %arg6: memref<256x256xf32, #tpu.memory_space<vmem>>, %arg7: memref<3x256xf32, #tpu.memory_space<vmem>>, %arg8: memref<1x256xf32, #tpu.memory_space<vmem>>, %arg9: memref<256x512xf32, #tpu.memory_space<vmem>>, %arg10: memref<1x512xf32, #tpu.memory_space<vmem>>, %arg11: memref<64x256xf32, #tpu.memory_space<vmem>>, %arg12: memref<64x256xf32, #tpu.memory_space<vmem>>, %arg13: memref<64x256xf32, #tpu.memory_space<vmem>>, %arg14: memref<64x256xf32, #tpu.memory_space<vmem>>, %arg15: memref<64x256xf32, #tpu.memory_space<vmem>>, %arg16: memref<64x256xf32, #tpu.memory_space<vmem>>) attributes {dimension_semantics = [#tpu.dimension_semantics<arbitrary>], iteration_bounds = array<i64: 50>, scalar_prefetch = 0 : i64, scratch_operands = 2 : i64, tpu.core_type = #tpu.core_type<tc>, window_params = [{pipeline_mode = #tpu.pipeline_mode<synchronous>, transform_indices = @transform_0, window_bounds = array<i64: 2, 64, 4>}, {transform_indices = @transform_1, window_bounds = array<i64: 3, 1, 1, 2000>}, {transform_indices = @transform_2, window_bounds = array<i64: 2000, 256>}, {transform_indices = @transform_3, window_bounds = array<i64: 1, 1, 2000>}, {transform_indices = @transform_4, window_bounds = array<i64: 1, 1, 2000>}, {pipeline_mode = #tpu.pipeline_mode<synchronous>, transform_indices = @transform_5, window_bounds = array<i64: 256, 256>}, {pipeline_mode = #tpu.pipeline_mode<synchronous>, transform_indices = @transform_6, window_bounds = array<i64: 3, 256>}, {pipeline_mode = #tpu.pipeline_mode<synchronous>, transform_indices = @transform_7, window_bounds = array<i64: 1, 256>}, {pipeline_mode = #tpu.pipeline_mode<synchronous>, transform_indices = @transform_8, window_bounds = array<i64: 256, 512>}, {pipeline_mode = #tpu.pipeline_mode<synchronous>, transform_indices = @transform_9, window_bounds = array<i64: 1, 512>}, {pipeline_mode = #tpu.pipeline_mode<synchronous>, transform_indices = @transform_10, window_bounds = array<i64: 64, 256>}, {pipeline_mode = #tpu.pipeline_mode<synchronous>, transform_indices = @transform_11, window_bounds = array<i64: 64, 256>}, {pipeline_mode = #tpu.pipeline_mode<synchronous>, transform_indices = @transform_12, window_bounds = array<i64: 64, 256>}, {pipeline_mode = #tpu.pipeline_mode<synchronous>, transform_indices = @transform_13, window_bounds = array<i64: 64, 256>}]} {
    %eq3A = arith.constant 0 : i32
    %eq3A_0 = arith.cmpi eq, %arg0, %eq3A : i32
    %convert_element_type3A = arith.extui %eq3A_0 : i1 to i32
    %cond3A = arith.constant 0 : i32
    %cond3A_1 = arith.cmpi ne, %convert_element_type3A, %cond3A : i32
    scf.if %cond3A_1 {
      %get3A_56 = arith.constant 0 : index
      %get3A_57 = arith.constant 0 : index
      %get3A_58 = arith.constant 0 : index
      %get3A_59 = vector.load %arg1[%get3A_56, %get3A_57, %get3A_58] : memref<2x64x4xf32, #tpu.memory_space<vmem>>, vector<1x64x4xf32>
      %get3A_60 = vector.shape_cast %get3A_59 : vector<1x64x4xf32> to vector<64x4xf32>
      %get3A_61 = arith.constant 1 : index
      %get3A_62 = arith.constant 0 : index
      %get3A_63 = arith.constant 0 : index
      %get3A_64 = vector.load %arg1[%get3A_61, %get3A_62, %get3A_63] : memref<2x64x4xf32, #tpu.memory_space<vmem>>, vector<1x64x4xf32>
      %get3A_65 = vector.shape_cast %get3A_64 : vector<1x64x4xf32> to vector<64x4xf32>
      %add3A_66 = arith.addf %get3A_60, %get3A_65 : vector<64x4xf32>
      %slice3A = vector.extract_strided_slice %add3A_66 {offsets = [0, 3], sizes = [64, 1], strides = [1, 1]} : vector<64x4xf32> to vector<64x1xf32>
      %slice3A_67 = vector.extract_strided_slice %add3A_66 {offsets = [0, 0], sizes = [64, 3], strides = [1, 1]} : vector<64x4xf32> to vector<64x3xf32>
      %max3A = arith.constant 1.000000e+00 : f32
      %max3A_68 = vector.broadcast %max3A : f32 to vector<64x1xf32>
      %max3A_69 = arith.maximumf %slice3A, %max3A_68 : vector<64x1xf32>
      %div3A = vector.broadcast %max3A_69 : vector<64x1xf32> to vector<64x3xf32>
      %div3A_70 = arith.divf %slice3A_67, %div3A : vector<64x3xf32>
      %get3A_71 = arith.constant 0 : index
      %get3A_72 = arith.constant 0 : index
      %get3A_73 = vector.load %arg7[%get3A_71, %get3A_72] : memref<3x256xf32, #tpu.memory_space<vmem>>, vector<3x256xf32>
      %dot_general3A_74 = arith.constant dense<0.000000e+00> : vector<64x256xf32>
      %dot_general3A_75 = tpu.matmul %div3A_70, %get3A_73, %dot_general3A_74 {dimension_numbers = #tpu.dot_dimension_numbers<[1], [0], [0], [1], [0, 0, 1, 1], [], []>, transpose_lhs_hint = false} : vector<64x3xf32>, vector<3x256xf32>, vector<64x256xf32> -> vector<64x256xf32>
      %swap3A_76 = arith.constant 0 : index
      %swap3A_77 = arith.constant 0 : index
      %swap3A_78 = vector.load %arg16[%swap3A_76, %swap3A_77] : memref<64x256xf32, #tpu.memory_space<vmem>>, vector<64x256xf32>
      tpu.vector_store %arg16[%swap3A_76, %swap3A_77], %dot_general3A_75 {strides = array<i32>} : memref<64x256xf32, #tpu.memory_space<vmem>>, vector<64x256xf32>,
      %broadcast_in_dim3A = arith.constant 0.000000e+00 : f32
      %broadcast_in_dim3A_79 = vector.broadcast %broadcast_in_dim3A : f32 to vector<64x256xf32>
      %swap3A_80 = arith.constant 0 : index
      %swap3A_81 = arith.constant 0 : index
      %swap3A_82 = vector.load %arg15[%swap3A_80, %swap3A_81] : memref<64x256xf32, #tpu.memory_space<vmem>>, vector<64x256xf32>
      tpu.vector_store %arg15[%swap3A_80, %swap3A_81], %broadcast_in_dim3A_79 {strides = array<i32>} : memref<64x256xf32, #tpu.memory_space<vmem>>, vector<64x256xf32>,
    } else {
    }
    %get3A = arith.constant 0 : index
    %get3A_2 = arith.constant 0 : index
    %get3A_3 = vector.load %arg3[%get3A, %get3A_2] : memref<2000x256xf32, #tpu.memory_space<vmem>>, vector<2000x256xf32>
    %get3A_4 = arith.constant 0 : index
    %get3A_5 = arith.constant 0 : index
    %get3A_6 = vector.load %arg6[%get3A_4, %get3A_5] : memref<256x256xf32, #tpu.memory_space<vmem>>, vector<256x256xf32>
    %dot_general3A = arith.constant dense<0.000000e+00> : vector<2000x256xf32>
    %dot_general3A_7 = tpu.matmul %get3A_3, %get3A_6, %dot_general3A {dimension_numbers = #tpu.dot_dimension_numbers<[1], [0], [0], [1], [0, 0, 1, 1], [], []>, transpose_lhs_hint = false} : vector<2000x256xf32>, vector<256x256xf32>, vector<2000x256xf32> -> vector<2000x256xf32>
    %get3A_8 = arith.constant 0 : index
    %get3A_9 = arith.constant 0 : index
    %get3A_10 = arith.constant 0 : index
    %get3A_11 = arith.constant 0 : index
    %get3A_12 = vector.load %arg2[%get3A_8, %get3A_9, %get3A_10, %get3A_11] : memref<3x1x1x2000xf32, #tpu.memory_space<vmem>>, vector<3x1x1x2000xf32>
    %get3A_13 = vector.shape_cast %get3A_12 : vector<3x1x1x2000xf32> to vector<3x2000xf32>
    %get3A_14 = arith.constant 0 : index
    %get3A_15 = arith.constant 0 : index
    %get3A_16 = vector.load %arg7[%get3A_14, %get3A_15] : memref<3x256xf32, #tpu.memory_space<vmem>>, vector<3x256xf32>
    %dot_general3A_17 = arith.constant dense<0.000000e+00> : vector<2000x256xf32>
    %dot_general3A_18 = tpu.matmul %get3A_13, %get3A_16, %dot_general3A_17 {dimension_numbers = #tpu.dot_dimension_numbers<[0], [0], [1], [1], [0, 1, 1, 1], [], []>, transpose_lhs_hint = false} : vector<3x2000xf32>, vector<3x256xf32>, vector<2000x256xf32> -> vector<2000x256xf32>
    %add3A = arith.addf %dot_general3A_7, %dot_general3A_18 : vector<2000x256xf32>
    %get3A_19 = arith.constant 0 : index
    %get3A_20 = arith.constant 0 : index
    %get3A_21 = vector.load %arg8[%get3A_19, %get3A_20] : memref<1x256xf32, #tpu.memory_space<vmem>>, vector<1x256xf32>
    %get3A_22 = arith.constant 0 : index
    %get3A_23 = arith.constant 0 : index
    %get3A_24 = arith.constant 0 : index
    %get3A_25 = vector.load %arg4[%get3A_22, %get3A_23, %get3A_24] : memref<1x1x2000xf32, #tpu.memory_space<vmem>>, vector<1x1x2000xf32>
    %get3A_26 = vector.shape_cast %get3A_25 : vector<1x1x2000xf32> to vector<1x2000xf32>
    %transpose3A = tpu.transpose %get3A_26, [1, 0] : vector<1x2000xf32> -> vector<2000x1xf32>
    %get3A_27 = arith.constant 0 : index
    %get3A_28 = arith.constant 0 : index
    %get3A_29 = arith.constant 0 : index
    %get3A_30 = memref.load %arg5[%get3A_27, %get3A_28, %get3A_29] : memref<1x1x2000xi32, #tpu.memory_space<smem>>
    %get3A_31 = arith.constant 0 : index
    %get3A_32 = arith.constant 0 : index
    %get3A_33 = arith.constant 1999 : index
    %get3A_34 = memref.load %arg5[%get3A_31, %get3A_32, %get3A_33] : memref<1x1x2000xi32, #tpu.memory_space<smem>>
    %iota3A = tpu.iota {dimensions = array<i32: 0>} : vector<64x1xi32>
    %add3A_35 = arith.constant 1 : i32
    %add3A_36 = arith.addi %get3A_34, %add3A_35 : i32
    %get3A_37 = arith.constant 0 : index
    %get3A_38 = arith.constant 0 : index
    %get3A_39 = vector.load %arg15[%get3A_37, %get3A_38] : memref<64x256xf32, #tpu.memory_space<vmem>>, vector<64x256xf32>
    %while3A = arith.subi %add3A_36, %get3A_30 : i32
    %while3A_40 = arith.addi %get3A_30, %while3A : i32
    %while3A_41 = arith.constant 1 : i32
    %while3A_42 = arith.divsi %while3A, %while3A_41 : i32
    %while3A_43 = arith.muli %while3A_42, %while3A_41 : i32
    %while3A_44 = arith.addi %get3A_30, %while3A_43 : i32
    %while3A_45 = arith.constant 1 : i32
    %while3A_46 = scf.for %while3A_56 = %get3A_30 to %while3A_44 step %while3A_45 iter_args(%while3A_57 = %get3A_39) -> (vector<64x256xf32>)  : i32 {
      %get3A_58 = arith.index_cast %while3A_56 : i32 to index
      %get3A_59 = arith.constant 0 : index
      %get3A_60 = vector.load %arg16[%get3A_58, %get3A_59] : memref<64x256xf32, #tpu.memory_space<vmem>>, vector<1x256xf32>
      %sub3A = arith.subf %get3A_21, %get3A_60 : vector<1x256xf32>
      %add3A_61 = vector.broadcast %sub3A : vector<1x256xf32> to vector<2000x256xf32>
      %add3A_62 = arith.addf %add3A, %add3A_61 : vector<2000x256xf32>
      %max3A = arith.constant 0.000000e+00 : f32
      %max3A_63 = vector.broadcast %max3A : f32 to vector<2000x256xf32>
      %max3A_64 = arith.maximumf %add3A_62, %max3A_63 : vector<2000x256xf32>
      %convert_element_type3A_65 = arith.sitofp %while3A_56 : i32 to f32
      %eq3A_66 = vector.broadcast %convert_element_type3A_65 : f32 to vector<2000x1xf32>
      %eq3A_67 = arith.cmpf oeq, %transpose3A, %eq3A_66 : vector<2000x1xf32>
      %jit3A = arith.constant 0.000000e+00 : f32
      %broadcast_in_dim3A = vector.shape_cast %eq3A_67 : vector<2000x1xi1> to vector<2000x1xi1>
      %broadcast_in_dim3A_68 = vector.broadcast %broadcast_in_dim3A : vector<2000x1xi1> to vector<2000x256xi1>
      %broadcast_in_dim3A_69 = vector.broadcast %jit3A : f32 to vector<2000x256xf32>
      %select_n3A = arith.select %broadcast_in_dim3A_68, %max3A_64, %broadcast_in_dim3A_69 : vector<2000x256xi1>, vector<2000x256xf32>
      %reduce_max3A = arith.constant dense<0xFF800000> : vector<256xf32>
      %reduce_max3A_70 = vector.multi_reduction <maximumf>, %select_n3A, %reduce_max3A [0] : vector<2000x256xf32> to vector<256xf32>
      %broadcast_in_dim3A_71 = vector.shape_cast %reduce_max3A_70 : vector<256xf32> to vector<1x256xf32>
      %eq3A_72 = vector.broadcast %while3A_56 : i32 to vector<64x1xi32>
      %eq3A_73 = arith.cmpi eq, %iota3A, %eq3A_72 : vector<64x1xi32>
      %jit3A_74 = arith.constant 0.000000e+00 : f32
      %broadcast_in_dim3A_75 = vector.shape_cast %eq3A_73 : vector<64x1xi1> to vector<64x1xi1>
      %broadcast_in_dim3A_76 = vector.broadcast %broadcast_in_dim3A_75 : vector<64x1xi1> to vector<64x256xi1>
      %broadcast_in_dim3A_77 = vector.shape_cast %broadcast_in_dim3A_71 : vector<1x256xf32> to vector<1x256xf32>
      %broadcast_in_dim3A_78 = vector.broadcast %broadcast_in_dim3A_77 : vector<1x256xf32> to vector<64x256xf32>
      %broadcast_in_dim3A_79 = vector.broadcast %jit3A_74 : f32 to vector<64x256xf32>
      %select_n3A_80 = arith.select %broadcast_in_dim3A_76, %broadcast_in_dim3A_78, %broadcast_in_dim3A_79 : vector<64x256xi1>, vector<64x256xf32>
      %max3A_81 = arith.maximumf %while3A_57, %select_n3A_80 : vector<64x256xf32>
      scf.yield %max3A_81 : vector<64x256xf32>
    }
    %while3A_47 = arith.constant 1 : i32
    %while3A_48 = scf.for %while3A_56 = %while3A_44 to %while3A_40 step %while3A_47 iter_args(%while3A_57 = %while3A_46) -> (vector<64x256xf32>)  : i32 {
      %get3A_58 = arith.index_cast %while3A_56 : i32 to index
      %get3A_59 = arith.constant 0 : index
      %get3A_60 = vector.load %arg16[%get3A_58, %get3A_59] : memref<64x256xf32, #tpu.memory_space<vmem>>, vector<1x256xf32>
      %sub3A = arith.subf %get3A_21, %get3A_60 : vector<1x256xf32>
      %add3A_61 = vector.broadcast %sub3A : vector<1x256xf32> to vector<2000x256xf32>
      %add3A_62 = arith.addf %add3A, %add3A_61 : vector<2000x256xf32>
      %max3A = arith.constant 0.000000e+00 : f32
      %max3A_63 = vector.broadcast %max3A : f32 to vector<2000x256xf32>
      %max3A_64 = arith.maximumf %add3A_62, %max3A_63 : vector<2000x256xf32>
      %convert_element_type3A_65 = arith.sitofp %while3A_56 : i32 to f32
      %eq3A_66 = vector.broadcast %convert_element_type3A_65 : f32 to vector<2000x1xf32>
      %eq3A_67 = arith.cmpf oeq, %transpose3A, %eq3A_66 : vector<2000x1xf32>
      %jit3A = arith.constant 0.000000e+00 : f32
      %broadcast_in_dim3A = vector.shape_cast %eq3A_67 : vector<2000x1xi1> to vector<2000x1xi1>
      %broadcast_in_dim3A_68 = vector.broadcast %broadcast_in_dim3A : vector<2000x1xi1> to vector<2000x256xi1>
      %broadcast_in_dim3A_69 = vector.broadcast %jit3A : f32 to vector<2000x256xf32>
      %select_n3A = arith.select %broadcast_in_dim3A_68, %max3A_64, %broadcast_in_dim3A_69 : vector<2000x256xi1>, vector<2000x256xf32>
      %reduce_max3A = arith.constant dense<0xFF800000> : vector<256xf32>
      %reduce_max3A_70 = vector.multi_reduction <maximumf>, %select_n3A, %reduce_max3A [0] : vector<2000x256xf32> to vector<256xf32>
      %broadcast_in_dim3A_71 = vector.shape_cast %reduce_max3A_70 : vector<256xf32> to vector<1x256xf32>
      %eq3A_72 = vector.broadcast %while3A_56 : i32 to vector<64x1xi32>
      %eq3A_73 = arith.cmpi eq, %iota3A, %eq3A_72 : vector<64x1xi32>
      %jit3A_74 = arith.constant 0.000000e+00 : f32
      %broadcast_in_dim3A_75 = vector.shape_cast %eq3A_73 : vector<64x1xi1> to vector<64x1xi1>
      %broadcast_in_dim3A_76 = vector.broadcast %broadcast_in_dim3A_75 : vector<64x1xi1> to vector<64x256xi1>
      %broadcast_in_dim3A_77 = vector.shape_cast %broadcast_in_dim3A_71 : vector<1x256xf32> to vector<1x256xf32>
      %broadcast_in_dim3A_78 = vector.broadcast %broadcast_in_dim3A_77 : vector<1x256xf32> to vector<64x256xf32>
      %broadcast_in_dim3A_79 = vector.broadcast %jit3A_74 : f32 to vector<64x256xf32>
      %select_n3A_80 = arith.select %broadcast_in_dim3A_76, %broadcast_in_dim3A_78, %broadcast_in_dim3A_79 : vector<64x256xi1>, vector<64x256xf32>
      %max3A_81 = arith.maximumf %while3A_57, %select_n3A_80 : vector<64x256xf32>
      scf.yield %max3A_81 : vector<64x256xf32>
    }
    %swap3A = arith.constant 0 : index
    %swap3A_49 = arith.constant 0 : index
    %swap3A_50 = vector.load %arg15[%swap3A, %swap3A_49] : memref<64x256xf32, #tpu.memory_space<vmem>>, vector<64x256xf32>
    tpu.vector_store %arg15[%swap3A, %swap3A_49], %while3A_48 {strides = array<i32>} : memref<64x256xf32, #tpu.memory_space<vmem>>, vector<64x256xf32>,
    %eq3A_51 = arith.constant 49 : i32
    %eq3A_52 = arith.cmpi eq, %arg0, %eq3A_51 : i32
    %convert_element_type3A_53 = arith.extui %eq3A_52 : i1 to i32
    %cond3A_54 = arith.constant 0 : i32
    %cond3A_55 = arith.cmpi ne, %convert_element_type3A_53, %cond3A_54 : i32
    scf.if %cond3A_55 {
      %get3A_56 = arith.constant 0 : index
      %get3A_57 = arith.constant 0 : index
      %get3A_58 = vector.load %arg15[%get3A_56, %get3A_57] : memref<64x256xf32, #tpu.memory_space<vmem>>, vector<64x256xf32>
      %get3A_59 = arith.constant 0 : index
      %get3A_60 = arith.constant 0 : index
      %get3A_61 = vector.load %arg9[%get3A_59, %get3A_60] : memref<256x512xf32, #tpu.memory_space<vmem>>, vector<256x512xf32>
      %dot_general3A_62 = arith.constant dense<0.000000e+00> : vector<64x512xf32>
      %dot_general3A_63 = tpu.matmul %get3A_58, %get3A_61, %dot_general3A_62 {dimension_numbers = #tpu.dot_dimension_numbers<[1], [0], [0], [1], [0, 0, 1, 1], [], []>, transpose_lhs_hint = false} : vector<64x256xf32>, vector<256x512xf32>, vector<64x512xf32> -> vector<64x512xf32>
      %get3A_64 = arith.constant 0 : index
      %get3A_65 = arith.constant 0 : index
      %get3A_66 = vector.load %arg10[%get3A_64, %get3A_65] : memref<1x512xf32, #tpu.memory_space<vmem>>, vector<1x512xf32>
      %add3A_67 = vector.broadcast %get3A_66 : vector<1x512xf32> to vector<64x512xf32>
      %add3A_68 = arith.addf %dot_general3A_63, %add3A_67 : vector<64x512xf32>
      %slice3A = vector.extract_strided_slice %add3A_68 {offsets = [0, 0], sizes = [64, 256], strides = [1, 1]} : vector<64x512xf32> to vector<64x256xf32>
      %slice3A_69 = vector.extract_strided_slice %add3A_68 {offsets = [0, 256], sizes = [64, 256], strides = [1, 1]} : vector<64x512xf32> to vector<64x256xf32>
      %custom_jvp_call3A = arith.constant 0.000000e+00 : f32
      %max3A = vector.broadcast %custom_jvp_call3A : f32 to vector<64x256xf32>
      %max3A_70 = arith.maximumf %slice3A_69, %max3A : vector<64x256xf32>
      %sub3A = vector.broadcast %custom_jvp_call3A : f32 to vector<64x256xf32>
      %sub3A_71 = arith.subf %slice3A_69, %sub3A : vector<64x256xf32>
      %ne3A = arith.cmpf one, %sub3A_71, %sub3A_71 : vector<64x256xf32>
      %add3A_72 = vector.broadcast %custom_jvp_call3A : f32 to vector<64x256xf32>
      %add3A_73 = arith.addf %slice3A_69, %add3A_72 : vector<64x256xf32>
      %abs3A = math.absf %sub3A_71 : vector<64x256xf32>
      %neg3A = arith.constant 0.000000e+00 : f32
      %neg3A_74 = vector.broadcast %neg3A : f32 to vector<64x256xf32>
      %neg3A_75 = arith.subf %neg3A_74, %abs3A : vector<64x256xf32>
      %exp3A = math.exp %neg3A_75 : vector<64x256xf32>
      %log1p3A = math.log1p %exp3A : vector<64x256xf32>
      %add3A_76 = arith.addf %max3A_70, %log1p3A : vector<64x256xf32>
      %select_n3A = arith.select %ne3A, %add3A_73, %add3A_76 : vector<64x256xi1>, vector<64x256xf32>
      %add3A_77 = arith.constant 9.99999974E-5 : f32
      %add3A_78 = vector.broadcast %add3A_77 : f32 to vector<64x256xf32>
      %add3A_79 = arith.addf %select_n3A, %add3A_78 : vector<64x256xf32>
      %swap3A_80 = arith.constant 0 : index
      %swap3A_81 = arith.constant 0 : index
      %swap3A_82 = vector.load %arg13[%swap3A_80, %swap3A_81] : memref<64x256xf32, #tpu.memory_space<vmem>>, vector<64x256xf32>
      tpu.vector_store %arg13[%swap3A_80, %swap3A_81], %slice3A {strides = array<i32>} : memref<64x256xf32, #tpu.memory_space<vmem>>, vector<64x256xf32>,
      %swap3A_83 = arith.constant 0 : index
      %swap3A_84 = arith.constant 0 : index
      %swap3A_85 = vector.load %arg14[%swap3A_83, %swap3A_84] : memref<64x256xf32, #tpu.memory_space<vmem>>, vector<64x256xf32>
      tpu.vector_store %arg14[%swap3A_83, %swap3A_84], %add3A_79 {strides = array<i32>} : memref<64x256xf32, #tpu.memory_space<vmem>>, vector<64x256xf32>,
      %get3A_86 = arith.constant 0 : index
      %get3A_87 = arith.constant 0 : index
      %get3A_88 = vector.load %arg11[%get3A_86, %get3A_87] : memref<64x256xf32, #tpu.memory_space<vmem>>, vector<64x256xf32>
      %mul3A = arith.mulf %add3A_79, %get3A_88 : vector<64x256xf32>
      %add3A_89 = arith.addf %slice3A, %mul3A : vector<64x256xf32>
      %swap3A_90 = arith.constant 0 : index
      %swap3A_91 = arith.constant 0 : index
      %swap3A_92 = vector.load %arg12[%swap3A_90, %swap3A_91] : memref<64x256xf32, #tpu.memory_space<vmem>>, vector<64x256xf32>
      tpu.vector_store %arg12[%swap3A_90, %swap3A_91], %add3A_89 {strides = array<i32>} : memref<64x256xf32, #tpu.memory_space<vmem>>, vector<64x256xf32>,
    } else {
    }
    return
  }
  func.func @transform_0(%arg0: i32) -> (i32, i32, i32) {
    %c0_i32 = arith.constant 0 : i32
    %c0_i32_0 = arith.constant 0 : i32
    %c0_i32_1 = arith.constant 0 : i32
    %c0_i32_2 = arith.constant 0 : i32
    return %c0_i32, %c0_i32_0, %c0_i32_1 : i32, i32, i32
  }
  func.func @transform_1(%arg0: i32) -> (i32, i32, i32, i32) {
    %c0_i32 = arith.constant 0 : i32
    %c0_i32_0 = arith.constant 0 : i32
    %c0_i32_1 = arith.constant 0 : i32
    %c0_i32_2 = arith.constant 0 : i32
    return %c0_i32, %arg0, %c0_i32_0, %c0_i32_1 : i32, i32, i32, i32
  }
  func.func @transform_2(%arg0: i32) -> (i32, i32) {
    %c0_i32 = arith.constant 0 : i32
    %c0_i32_0 = arith.constant 0 : i32
    return %arg0, %c0_i32 : i32, i32
  }
  func.func @transform_3(%arg0: i32) -> (i32, i32, i32) {
    %c0_i32 = arith.constant 0 : i32
    %c0_i32_0 = arith.constant 0 : i32
    %c0_i32_1 = arith.constant 0 : i32
    return %arg0, %c0_i32, %c0_i32_0 : i32, i32, i32
  }
  func.func @transform_4(%arg0: i32) -> (i32, i32, i32) {
    %c0_i32 = arith.constant 0 : i32
    %c0_i32_0 = arith.constant 0 : i32
    %c0_i32_1 = arith.constant 0 : i32
    return %arg0, %c0_i32, %c0_i32_0 : i32, i32, i32
  }
  func.func @transform_5(%arg0: i32) -> (i32, i32) {
    %c0_i32 = arith.constant 0 : i32
    %c0_i32_0 = arith.constant 0 : i32
    %c0_i32_1 = arith.constant 0 : i32
    return %c0_i32, %c0_i32_0 : i32, i32
  }
  func.func @transform_6(%arg0: i32) -> (i32, i32) {
    %c0_i32 = arith.constant 0 : i32
    %c0_i32_0 = arith.constant 0 : i32
    %c0_i32_1 = arith.constant 0 : i32
    return %c0_i32, %c0_i32_0 : i32, i32
  }
  func.func @transform_7(%arg0: i32) -> (i32, i32) {
    %c0_i32 = arith.constant 0 : i32
    %c0_i32_0 = arith.constant 0 : i32
    %c0_i32_1 = arith.constant 0 : i32
    return %c0_i32, %c0_i32_0 : i32, i32
  }
  func.func @transform_8(%arg0: i32) -> (i32, i32) {
    %c0_i32 = arith.constant 0 : i32
    %c0_i32_0 = arith.constant 0 : i32
    %c0_i32_1 = arith.constant 0 : i32
    return %c0_i32, %c0_i32_0 : i32, i32
  }
  func.func @transform_9(%arg0: i32) -> (i32, i32) {
    %c0_i32 = arith.constant 0 : i32
    %c0_i32_0 = arith.constant 0 : i32
    %c0_i32_1 = arith.constant 0 : i32
    return %c0_i32, %c0_i32_0 : i32, i32
  }
  func.func @transform_10(%arg0: i32) -> (i32, i32) {
    %c0_i32 = arith.constant 0 : i32
    %c0_i32_0 = arith.constant 0 : i32
    %c0_i32_1 = arith.constant 0 : i32
    return %c0_i32, %c0_i32_0 : i32, i32
  }
  func.func @transform_11(%arg0: i32) -> (i32, i32) {
    %c0_i32 = arith.constant 0 : i32
    %c0_i32_0 = arith.constant 0 : i32
    %c0_i32_1 = arith.constant 0 : i32
    return %c0_i32, %c0_i32_0 : i32, i32
  }
  func.func @transform_12(%arg0: i32) -> (i32, i32) {
    %c0_i32 = arith.constant 0 : i32
    %c0_i32_0 = arith.constant 0 : i32
    %c0_i32_1 = arith.constant 0 : i32
    return %c0_i32, %c0_i32_0 : i32, i32
  }
  func.func @transform_13(%arg0: i32) -> (i32, i32) {
    %c0_i32 = arith.constant 0 : i32
    %c0_i32_0 = arith.constant 0 : i32
    %c0_i32_1 = arith.constant 0 : i32
    return %c0_i32, %c0_i32_0 : i32, i32
  }
}

</mosaic_0001>

<sc_bundles>
// kernel: kernel.4.cloned.1.call-start
scs
__scs_entry_jumppad:
0x0: {  	(pc) =	sbr.rel $0x88, $3  }
0x1: {  	(tag) =	ssettag $0x0;
	lr =	simm.s32 $0x1  }
0x2: {  	[smem:$0x3F9A] =	sst lr;
	_ =	strace $0xD0000000  }
0x3: {  	_ = 	snop  }
0x4: {  	_ = 	snop  }
0x5: {  	_ = 	snop  }
0x6: {  	_ = 	snop  }
0x7: {  	_ = 	snop  }
__scs_overlays_trampoline_lowered:
0x8: {  	[smem:$0x3FA9] =	sst s0  }
0x9: {  	[smem:$0x3FAA] =	sst s1  }
0xa: {  	[smem:$0x3FAB] =	sst s2  }
0xb: {  	[smem:$0x3FAC] =	sst s3  }
0xc: {  	[smem:$0x3FAD] =	sst s4  }
0xd: {  	[smem:$0x3FAE] =	sst s5  }
0xe: {  	[smem:$0x3FAF] =	sst s6  }
0xf: {  	[smem:$0x3FB0] =	sst s7  }
0x10: {  	[smem:$0x3FB1] =	sst s8  }
0x11: {  	[smem:$0x3FB2] =	sst s9;
	s0 =	simm.s32 @!p0 $0x0  }
0x12: {  	s1 =	sld [smem:$0x3F98];
	s0 =	simm.s32 @p0 $0x1  }
0x13: {  	[smem:$0x3FB3] =	sst s0;
	s0 =	simm.s32 @!p1 $0x0  }
0x14: {  	s2 =	sld [smem:$0x3F97];
	s0 =	simm.s32 @p1 $0x1  }
0x15: {  	[smem:$0x3FB4] =	sst s0;
	s0 =	simm.s32 @!p2 $0x0  }
0x16: {  	s3 =	sld [smem:$0x3FDB];
	s0 =	simm.s32 @p2 $0x1  }
0x17: {  	s4 =	simm.s32 $0x1BF5;
	[smem:$0x3FB6] =	sst s0  }
0x18: {  	s0 =	sld [smem:$0x3F99];
	_ =	swait.ge [sflag:s4], $0x0  }
0x19: {  	s7 =	sld [smem:$0x3F9A]  }
0x1a: {  	s8 =	sadd.s32 $0xFFFFE003, lr  }
0x1b: {  	s9 =	sadd.s32 $0xFFFFFEF7, lr;
	s5 =	simm.s32 $0xFFFFFFFF;
	p2 =	slt.u32 s8, $0xFFFFF086  }
0x1c: {  	p1 =	slt.u32 s9, $0xF7A;
	s5 =	simm.s32 @!p2 $0x0  }
0x1d: {  	s5 =	simm.s32 @p1 $0x1;
	p0 =	seq.s32 s7, s2  }
0x1e: {  	s7 =	smul.u32 @!p0 $0xF7A, s2;
	p2 =	seq.s32 @!p0 s5, $0x0  }
0x1f: {  	s9 =	smul.u32 $0xF7A, s1;
	s8 =	simm.s32 @!p0 $0x1BF5;
	p2 =	por !p2, p0  }
0x20: {  	[sflag:s8] =	ssyncset.s32 @!p0 $0xFFFFF086;
	s6 =	sadd.s32 @!p0 s3, s7;
	s7 =	simm.s32 @!p0 $0x108  }
0x21: {  	s3 =	sadd.s32 s3, s9;
	s6 =	sadd.s32 @!p0 $0x88, s6;
	s7 =	simm.s32 @p2 $0x1082  }
0x22: {  	[simem:s7], [sflag:s8] =	dma.local @!p0 [hbm:s6], $0xF7A  }
0x23: {  	s9 =	sor.u32 $0xD0000000, s2;
	s6 =	simm.s32 $0x108;
	_ =	swait.ge @!p0 [sflag:s8], $0x0  }
0x24: {  	s3 =	sadd.s32 $0x88, s3;
	s6 =	simm.s32 @!p1 $0x1082;
	[sflag:s4] =	ssyncset.s32 $0xFFFFF086  }
0x25: {  	[simem:s6], [sflag:s4] =	dma.local [hbm:s3], $0xF7A  }
0x26: {  	[smem:$0x3F9A] =	sst s1;
	(tag) =	ssettag s2;
	_ =	strace s9  }
0x27: {  	s1 =	sld [smem:$0x3FAA]  }
0x28: {  	s2 =	sld [smem:$0x3FAB]  }
0x29: {  	s4 =	sld [smem:$0x3FAD]  }
0x2a: {  	p0 =	seq.s32 s5, $0x0;
	s5 =	sld [smem:$0x3FAE]  }
0x2b: {  	s6 =	sld [smem:$0x3FAF]  }
0x2c: {  	s7 =	sld [smem:$0x3FB0]  }
0x2d: {  	s3 =	simm.s32 $0x108;
	s8 =	sld [smem:$0x3FB1]  }
0x2e: {  	s3 =	simm.s32 @!p0 $0x1082;
	s9 =	sld [smem:$0x3FB2]  }
0x2f: {  	lr =	sadd.s32 s0, s3;
	s0 =	sld [smem:$0x3FA9]  }
0x30: {  	s3 =	sld [smem:$0x3FAC]  }
0x31: {  	[smem:$0x3FB5] =	sst s10  }
0x32: {  	s10 =	sld [smem:$0x3FB3];
	_ =	sdelay $0x3  }
0x33: {  	p0 =	seq.s32 s10, $0x1;
	s10 =	sld [smem:$0x3FB5];
	_ =	sdelay $0x3  }
0x34: {  	[smem:$0x3FB5] =	sst s10  }
0x35: {  	s10 =	sld [smem:$0x3FB4];
	_ =	sdelay $0x3  }
0x36: {  	p1 =	seq.s32 s10, $0x1;
	s10 =	sld [smem:$0x3FB5];
	_ =	sdelay $0x3  }
0x37: {  	[smem:$0x3FB5] =	sst s10  }
0x38: {  	s10 =	sld [smem:$0x3FB6]  }
0x39: {  	_ = 	snop;
	(pc) =	sbr.ind lr, $3  }
0x3a: {  	_ = 	snop  }
0x3b: {  	_ = 	snop  }
0x3c: {  	p2 =	seq.s32 s10, $0x1;
	s10 =	sld [smem:$0x3FB5]  }
0x3d: {  	_ =	shalt  }
0x3e: {  	_ =	shalt  }
0x3f: {  	_ =	shalt  }
0x40: {  	_ =	shalt  }
0x41: {  	_ =	shalt  }
0x42: {  	_ =	shalt  }
0x43: {  	_ =	shalt  }
0x44: {  	_ =	shalt  }
0x45: {  	_ =	shalt  }
0x46: {  	_ =	shalt  }
0x47: {  	_ =	shalt  }
0x48: {  	_ =	shalt  }
0x49: {  	_ =	shalt  }
0x4a: {  	_ =	shalt  }
0x4b: {  	_ =	shalt  }
0x4c: {  	_ =	shalt  }
0x4d: {  	_ =	shalt  }
0x4e: {  	_ =	shalt  }
0x4f: {  	_ =	shalt  }
0x50: {  	_ =	shalt  }
0x51: {  	_ =	shalt  }
0x52: {  	_ =	shalt  }
0x53: {  	_ =	shalt  }
0x54: {  	_ =	shalt  }
0x55: {  	_ =	shalt  }
0x56: {  	_ =	shalt  }
0x57: {  	_ =	shalt  }
0x58: {  	_ =	shalt  }
0x59: {  	_ =	shalt  }
0x5a: {  	_ =	shalt  }
0x5b: {  	_ =	shalt  }
0x5c: {  	_ =	shalt  }
0x5d: {  	_ =	shalt  }
0x5e: {  	_ =	shalt  }
0x5f: {  	_ =	shalt  }
0x60: {  	_ =	shalt  }
0x61: {  	_ =	shalt  }
0x62: {  	_ =	shalt  }
0x63: {  	_ =	shalt  }
0x64: {  	_ =	shalt  }
0x65: {  	_ =	shalt  }
0x66: {  	_ =	shalt  }
0x67: {  	_ =	shalt  }
0x68: {  	_ =	shalt  }
0x69: {  	_ =	shalt  }
0x6a: {  	_ =	shalt  }
0x6b: {  	_ =	shalt  }
0x6c: {  	_ =	shalt  }
0x6d: {  	_ =	shalt  }
0x6e: {  	_ =	shalt  }
0x6f: {  	_ =	shalt  }
0x70: {  	_ =	shalt  }
0x71: {  	_ =	shalt  }
0x72: {  	_ =	shalt  }
0x73: {  	_ =	shalt  }
0x74: {  	_ =	shalt  }
0x75: {  	_ =	shalt  }
0x76: {  	_ =	shalt  }
0x77: {  	_ =	shalt  }
0x78: {  	_ =	shalt  }
0x79: {  	_ =	shalt  }
0x7a: {  	_ =	shalt  }
0x7b: {  	_ =	shalt  }
0x7c: {  	_ =	shalt  }
0x7d: {  	_ =	shalt  }
0x7e: {  	_ =	shalt  }
0x7f: {  	_ =	shalt  }
0x80: {  	_ =	shalt  }
0x81: {  	_ =	shalt  }
0x82: {  	_ =	shalt  }
0x83: {  	_ =	shalt  }
0x84: {  	_ =	shalt  }
0x85: {  	_ =	shalt  }
0x86: {  	_ =	shalt  }
0x87: {  	_ =	shalt  }
.Lfunc_end0:
.L_simem_size_0:
called_computation_lowered:
.L_overlay_start_0:
0x88: {  	s2 =	sld [smem:$0x3FD9]  }
0x89: {  	s3 =	sld [smem:$0x3FFE];
	_ =	sdelay $0x1  }
0x8a: {  	s1 =	srdreg.scid  }
0x8b: {  	s0 =	sand.u32 $0x1, s1  }
0x8c: {  	s14 =	sshll.u32 s0, $0xA;
	s2 =	sadd.s32 s3, s2  }
0x8d: {  	s2 =	sadd.s32 s2, s14  }
0x8e: {  	[smem:$0x3FC1] =	sst s2  }
0x8f: {  	_ = 	snop  }
0x90: {  	s2 =	sld [smem:$0x3FD0];
	_ =	sdelay $0x2  }
0x91: {  	s15 =	simm.s32 $0xA;
	s4 =	simm.s32 $0x10  }
0x92: {  	[smem:s4], [sflag:s15] =	dma.local [hbm:s2], $0x1  }
0x93: {  	_ =	swait.eq [sflag:s15], $0x1  }
0x94: {  	[sflag:s15] =	ssyncset.done $0x0  }
0x95: {  	s16 =	sld [smem:$0x11];
	[sflag:s15] =	ssyncadd.s32 $0xFFFFFFFF  }
0x96: {  	s17 =	sld [smem:$0x12];
	(tm) =	ssettm $0x1  }
0x97: {  	s18 =	sld [smem:$0x3FFB];
	_ =	sdelay $0x3  }
0x98: {  	_ =	strace s18  }
0x99: {  	s4 =	sld [smem:$0x3FFC];
	_ =	sdelay $0x3  }
0x9a: {  	_ =	strace s4  }
0x9b: {  	s4 =	sld [smem:$0x3FFD];
	_ =	sdelay $0x3  }
0x9c: {  	_ =	strace s4  }
0x9d: {  	_ =	strace $0x8FFFFFFF  }
0x9e: {  	s19 =	sld [smem:$0x3FDB];
	_ =	sdelay $0x1  }
0x9f: {  	s5 =	simm.s32 $_scs_section_size  }
0xa0: {  	s6 =	simm.s32 $_size__tile_overlayer_lowered;
	s7 =	simm.s32 $_tile_overlayer_lowered  }
0xa1: {  	s22 =	simm.s32 $0x1BFF;
	s21 =	sshll.u32 s7, $0x1;
	s4 =	sadd.s32 s5, s19  }
0xa2: {  	s8 =	simm.s32 $0x0;
	s20 =	sshll.u32 s6, $0x1;
	s6 =	sadd.s32 s21, s4  }
0xa3: {  	[timem:s8], [sflag:s22] =	dma.local [hbm:s6], s20  }
0xa4: {  	_ =	swait.ge [sflag:s22], s20  }
0xa5: {  	s5 =	ssub.s32 $0x0, s20;
	[sflag:s22] =	ssyncset.done $0x0  }
0xa6: {  	[sflag:s22] =	ssyncadd.s32 s5;
	_ =	sdelay $0x1  }
0xa7: {  	s23 =	simm.s32 $0x1B8B  }
0xa8: {  	_ =	swait.ge [sflag:s23], $0x1  }
0xa9: {  	[sflag:s23] =	ssyncset.done $0x0  }
0xaa: {  	s25 =	simm.s32 $0x1B8E;
	s24 =	sld [smem:$0x3FFE];
	[sflag:s23] =	ssyncadd.s32 $0xFFFFFFFF  }
0xab: {  	s26 =	simm.s32 $execute0_lowered;
	[smem:$0x3FD2] =	sst s25  }
0xac: {  	s6 =	sshll.u32 s26, $0x1;
	_ =	strace $0x80000046;
	[dreg:$0x1] =	wrdreg $0xFFFFFFFF  }
0xad: {  	s28 =	simm.s32 $_size_execute0_lowered;
	s4 =	sadd.s32 s4, s6;
	[dreg:$0x0] =	wrdreg $0x0  }
0xae: {  	s6 =	sshll.u32 s28, $0x1;
	[dreg:$0x2] =	wrdreg s4  }
0xaf: {  	[dreg:$0x3] =	wrdreg s6  }
0xb0: {  	[dreg:$0x4] =	wrdreg $0xC0  }
0xb1: {  	_ =	task [dreg:s8], $0x5FFFF  }
0xb2: {  	[dreg:$0x1] =	wrdreg $0xFFFFFFFF  }
0xb3: {  	[dreg:$0x0] =	wrdreg $0x60  }
0xb4: {  	[dreg:$0x2] =	wrdreg s24  }
0xb5: {  	[dreg:$0x3] =	wrdreg s16  }
0xb6: {  	[dreg:$0x4] =	wrdreg s17  }
0xb7: {  	[dreg:$0x5] =	wrdreg $0x70400  }
0xb8: {  	[dreg:$0x6] =	wrdreg $0x9  }
0xb9: {  	_ =	task.clear_ibuf [dreg:s8], $0x7FFFF;
	_ =	strace $0x90000046  }
0xba: {  	s29 =	simm.s32 $0x9;
	_ =	strace $0x80000048  }
0xbb: {  	_ =	swait.ge [sflag:s29], $0x1  }
0xbc: {  	[sflag:s29] =	ssyncadd.s32 $0xFFFFFFFF  }
0xbd: {  	_ =	strace $0x90000048  }
0xbe: {  	_ =	sfence  }
0xbf: {  	s30 =	sld [smem:$0x0];
	_ =	sdelay $0x2  }
0xc0: {  	s31 =	sshll.u32 s1, $0xD;
	s1 =	sshrl.u32 s1, $0x2  }
0xc1: {  	s3 =	sand.u32 $0x4000, s31;
	s1 =	sadd.s32 s1, s30  }
0xc2: {  	s0 =	sor.u32 s3, s0;
	s1 =	sshll.u32 s1, $0x11  }
0xc3: {  	s0 =	sor.u32 s1, s0  }
0xc4: {  	s0 =	sadd.s32 $0x8F2B, s0  }
0xc5: {  	[sflag:s0] =	ssyncadd.remote.s32 $0x1  }
0xc6: {  	_ =	sfence.sel $0xFFFF  }
0xc7: {  	[dreg:$0x0] =	wrdreg $0xFFFFFFFF;
	(pc) =	sbr.abs _section_cstart, $3  }
0xc8: {  	[dreg:$0x1] =	wrdreg $0xFFFFFFFF  }
0xc9: {  	_ =	task.clear_ibuf [dreg:s8], $0x2FFFF;
	_ =	strace $0x9FFFFFFF  }
0xca: {  	(tm) =	ssettm $0x7FFFFFFF  }
0xcb: {  	_ =	shalt  }
tec
execute0_lowered:
.L_overlay_start_1:
0x0: {  	(tag) =	ssettag $0x1  }
0x1: {  	s4 =	rddreg [dreg:$0x0]  }
0x2: {  	s1 =	rddreg [dreg:$0x1]  }
0x3: {  	s5 =	rddreg [dreg:$0x2]  }
0x4: {  	[dreg:$0x5] =	wrdreg s1  }
0x5: {  	s2 =	simm.s32 $0x0;
	s1 =	rddreg [dreg:$0x3]  }
0x6: {  	s9 =	simm.s32 $0x6270;
	[smem:$0x7FF] =	sst s2  }
0x7: {  	s10 =	simm.s32 $0x380;
	_ =	strace $0x80000047;
	[dreg:$0x9] =	wrdreg s9  }
0x8: {  	s11 =	simm.s32 $0x62E0;
	[dreg:$0xa] =	wrdreg s10  }
0x9: {  	s12 =	simm.s32 $0x700;
	[dreg:$0xb] =	wrdreg s11  }
0xa: {  	s13 =	simm.s32 $0x6350;
	[dreg:$0xc] =	wrdreg s12  }
0xb: {  	s14 =	simm.s32 $0xA80;
	[dreg:$0xd] =	wrdreg s13  }
0xc: {  	s15 =	simm.s32 $0x63C0;
	[dreg:$0xe] =	wrdreg s14  }
0xd: {  	s16 =	simm.s32 $0xE00;
	[dreg:$0xf] =	wrdreg s15  }
0xe: {  	s17 =	simm.s32 $0x6430;
	[dreg:$0x10] =	wrdreg s16  }
0xf: {  	s18 =	simm.s32 $0x1180;
	[dreg:$0x11] =	wrdreg s17  }
0x10: {  	s19 =	simm.s32 $0x64A0;
	[dreg:$0x12] =	wrdreg s18  }
0x11: {  	s20 =	simm.s32 $0x1500;
	[dreg:$0x13] =	wrdreg s19  }
0x12: {  	s21 =	simm.s32 $0x6510;
	[dreg:$0x14] =	wrdreg s20  }
0x13: {  	s23 =	simm.s32 $0x1880;
	[dreg:$0x15] =	wrdreg s21  }
0x14: {  	s24 =	simm.s32 $0x6580;
	[dreg:$0x16] =	wrdreg s23  }
0x15: {  	s25 =	simm.s32 $0x1C00;
	[dreg:$0x17] =	wrdreg s24  }
0x16: {  	s26 =	simm.s32 $0x65F0;
	[dreg:$0x18] =	wrdreg s25  }
0x17: {  	[dreg:$0x19] =	wrdreg s26;
	s9 =	simm.s32 $0x6740  }
0x18: {  	s10 =	simm.s32 $0x2A00;
	[dreg:$0x1f] =	wrdreg s9  }
0x19: {  	s11 =	simm.s32 $0x67B0;
	[smem:$0x7F3] =	sst s10  }
0x1a: {  	s12 =	simm.s32 $0x2D80;
	[smem:$0x7F4] =	sst s11  }
0x1b: {  	s13 =	simm.s32 $0x6820;
	[smem:$0x7F5] =	sst s12  }
0x1c: {  	s0 =	srdreg.scid;
	s14 =	simm.s32 $0x3100;
	[smem:$0x7F6] =	sst s13  }
0x1d: {  	s3 =	stileid.u32;
	s15 =	simm.s32 $0x6890;
	[smem:$0x7F7] =	sst s14  }
0x1e: {  	s22 =	sand.u32 $0x1, s0;
	s16 =	simm.s32 $0x3480;
	[smem:$0x7F8] =	sst s15  }
0x1f: {  	s0 =	sshll.u32 s22, $0x4;
	s17 =	simm.s32 $0x6900;
	[smem:$0x7F9] =	sst s16  }
0x20: {  	s18 =	simm.s32 $0x3800;
	s6 =	sor.u32 s3, s0;
	[smem:$0x7FA] =	sst s17  }
0x21: {  	s19 =	simm.s32 $0x6970;
	[smem:$0x7FB] =	sst s18;
	s7 =	smul.u32 $0xC40, s6  }
0x22: {  	s20 =	simm.s32 $0x3B80;
	[smem:$0x7FC] =	sst s19;
	s6 =	smul.u32 $0x188, s6  }
0x23: {  	[smem:$0x7FD] =	sst s20  }
0x24: {  	s7 =	sadd.s32 s7, s4;
	s4 =	sadd.s32 s6, s4;
	s6 =	simm.s32 $0x2300  }
0x25: {  	s0 =	sadd.s32 $0x1400, s7;
	[dreg:$0x1c] =	wrdreg s6  }
0x26: {  	s4 =	sadd.s32 $0x19C00, s4;
	s7 =	sshll.u32 s22, $0x6;
	[dreg:$0x6] =	wrdreg s0  }
0x27: {  	[dreg:$0x7] =	wrdreg s4;
	s8 =	sadd.s32 s5, s7  }
0x28: {  	s0 =	simm.s32 $0x1F80;
	[dreg:$0x8] =	wrdreg s8  }
0x29: {  	s5 =	simm.s32 $0x6660;
	[dreg:$0x1a] =	wrdreg s0  }
0x2a: {  	s7 =	simm.s32 $0x66D0;
	[dreg:$0x1b] =	wrdreg s5  }
0x2b: {  	[dreg:$0x1d] =	wrdreg s7  }
0x2c: {  	p0 =	sne.s32 s3, $0x0;
	s21 =	rddreg [dreg:$0x6]  }
0x2d: {  	s3 =	simm.s32 @!p0 $0x2;
	s23 =	rddreg [dreg:$0x7]  }
0x2e: {  	[tilespmem:s2], [sflag:$0x1] =	stream.linear.gather [hbm4b:s21+s2], $0x6200, $0x38;
	[tilespmem:$0x7050] =	vst v63  }
0x2f: {  	s6 =	simm.s32 $0x6200;
	s8 =	simm.s32 $0x2680;
	s7 =	rddreg [dreg:$0x5]  }
0x30: {  	[tilespmem:s6], [sflag:$0x1] =	stream.linear.gather [hbm4b:s23+s2], $0xC40, $0x38;
	[tilespmem:$0x7050] =	vst v63  }
0x31: {  	s4 =	simm.s32 @!p0 $0x0;
	s5 =	simm.s32 @!p0 $0x6E40;
	[dreg:$0x1e] =	wrdreg s8  }
0x32: {  	[tilespmem:s5], [sflag:$0x2] =	stream.linear.gather @!p0 [hbm4b:s7+s4], $0x200, $0x38;
	[tilespmem:$0x7050] =	vst v63  }
0x33: {  	_ =	swait.ge @!p0 [sflag:s3], $0x200  }
0x34: {  	[sflag:s3] =	ssyncset.done @!p0 $0x0  }
0x35: {  	[sflag:s3] =	ssyncadd.s32 @!p0 $0xFFFFFE00  }
0x36: {  	[spmem:s1] =	stream.linear.scatter @!p0 [tilespmem:s5], [sflag:$0x2], $0x200, $0x38;
	[tilespmem:$0x7050] =	vst v63  }
0x37: {  	_ =	swait.ge @!p0 [sflag:s3], $0x200  }
0x38: {  	[sflag:s3] =	ssyncset.done @!p0 $0x0  }
0x39: {  	s9 =	simm.s32 $0x1;
	[sflag:s3] =	ssyncadd.s32 @!p0 $0xFFFFFE00  }
0x3a: {  	_ =	swait.ge [sflag:s9], $0x6200  }
0x3b: {  	[sflag:s9] =	ssyncset.done $0x0  }
0x3c: {  	[sflag:s9] =	ssyncadd.s32 $0xFFFF9E00  }
0x3d: {  	_ =	swait.ge [sflag:s9], $0xC40  }
0x3e: {  	[sflag:s9] =	ssyncset.done $0x0  }
0x3f: {  	[sflag:s9] =	ssyncadd.s32 $0xFFFFF3C0  }
0x40: {  	s8 =	simm.s32 $0x70;
	s7 =	simm.s32 $0x2;
	[bflag:$0x0] =	sbarrier.arrive $0xFFFF  }
0x41: {  	[spmem:s1] =	stream.indirect.scatter.add.f32 [tilespmem:s2], [sflag:$0x2], $0x4, s6, s8, $0xb8;
	[tilespmem:$0x7050] =	vst v63  }
0x42: {  	_ =	swait.ge [sflag:s7], $0x1C0  }
0x43: {  	s10 =	rddreg [dreg:$0x9];
	[sflag:s7] =	ssyncset.done $0x0  }
0x44: {  	s11 =	rddreg [dreg:$0xa];
	[sflag:s7] =	ssyncadd.s32 $0xFFFFFE40  }
0x45: {  	[spmem:s1] =	stream.indirect.scatter.add.f32 [tilespmem:s11], [sflag:$0x2], $0x4, s10, s8, $0xb8;
	[tilespmem:$0x7050] =	vst v63  }
0x46: {  	_ =	swait.ge [sflag:s7], $0x1C0  }
0x47: {  	s24 =	rddreg [dreg:$0xb];
	[sflag:s7] =	ssyncset.done $0x0  }
0x48: {  	s25 =	rddreg [dreg:$0xc];
	[sflag:s7] =	ssyncadd.s32 $0xFFFFFE40  }
0x49: {  	[spmem:s1] =	stream.indirect.scatter.add.f32 [tilespmem:s25], [sflag:$0x2], $0x4, s24, s8, $0xb8;
	[tilespmem:$0x7050] =	vst v63  }
0x4a: {  	_ =	swait.ge [sflag:s7], $0x1C0  }
0x4b: {  	s26 =	rddreg [dreg:$0xd];
	[sflag:s7] =	ssyncset.done $0x0  }
0x4c: {  	s0 =	rddreg [dreg:$0xe];
	[sflag:s7] =	ssyncadd.s32 $0xFFFFFE40  }
0x4d: {  	[spmem:s1] =	stream.indirect.scatter.add.f32 [tilespmem:s0], [sflag:$0x2], $0x4, s26, s8, $0xb8;
	[tilespmem:$0x7050] =	vst v63  }
0x4e: {  	_ =	swait.ge [sflag:s7], $0x1C0  }
0x4f: {  	s11 =	rddreg [dreg:$0xf];
	[sflag:s7] =	ssyncset.done $0x0  }
0x50: {  	s12 =	rddreg [dreg:$0x10];
	[sflag:s7] =	ssyncadd.s32 $0xFFFFFE40  }
0x51: {  	[spmem:s1] =	stream.indirect.scatter.add.f32 [tilespmem:s12], [sflag:$0x2], $0x4, s11, s8, $0xb8;
	[tilespmem:$0x7050] =	vst v63  }
0x52: {  	_ =	swait.ge [sflag:s7], $0x1C0  }
0x53: {  	s13 =	rddreg [dreg:$0x11];
	[sflag:s7] =	ssyncset.done $0x0  }
0x54: {  	s14 =	rddreg [dreg:$0x12];
	[sflag:s7] =	ssyncadd.s32 $0xFFFFFE40  }
0x55: {  	[spmem:s1] =	stream.indirect.scatter.add.f32 [tilespmem:s14], [sflag:$0x2], $0x4, s13, s8, $0xb8;
	[tilespmem:$0x7050] =	vst v63  }
0x56: {  	_ =	swait.ge [sflag:s7], $0x1C0  }
0x57: {  	s15 =	rddreg [dreg:$0x13];
	[sflag:s7] =	ssyncset.done $0x0  }
0x58: {  	s16 =	rddreg [dreg:$0x14];
	[sflag:s7] =	ssyncadd.s32 $0xFFFFFE40  }
0x59: {  	[spmem:s1] =	stream.indirect.scatter.add.f32 [tilespmem:s16], [sflag:$0x2], $0x4, s15, s8, $0xb8;
	[tilespmem:$0x7050] =	vst v63  }
0x5a: {  	_ =	swait.ge [sflag:s7], $0x1C0  }
0x5b: {  	s17 =	rddreg [dreg:$0x15];
	[sflag:s7] =	ssyncset.done $0x0  }
0x5c: {  	s18 =	rddreg [dreg:$0x16];
	[sflag:s7] =	ssyncadd.s32 $0xFFFFFE40  }
0x5d: {  	[spmem:s1] =	stream.indirect.scatter.add.f32 [tilespmem:s18], [sflag:$0x2], $0x4, s17, s8, $0xb8;
	[tilespmem:$0x7050] =	vst v63  }
0x5e: {  	_ =	swait.ge [sflag:s7], $0x1C0  }
0x5f: {  	s19 =	rddreg [dreg:$0x17];
	[sflag:s7] =	ssyncset.done $0x0  }
0x60: {  	s20 =	rddreg [dreg:$0x18];
	[sflag:s7] =	ssyncadd.s32 $0xFFFFFE40  }
0x61: {  	[spmem:s1] =	stream.indirect.scatter.add.f32 [tilespmem:s20], [sflag:$0x2], $0x4, s19, s8, $0xb8;
	[tilespmem:$0x7050] =	vst v63  }
0x62: {  	_ =	swait.ge [sflag:s7], $0x1C0  }
0x63: {  	s21 =	rddreg [dreg:$0x19];
	[sflag:s7] =	ssyncset.done $0x0  }
0x64: {  	s23 =	rddreg [dreg:$0x1a];
	[sflag:s7] =	ssyncadd.s32 $0xFFFFFE40  }
0x65: {  	[spmem:s1] =	stream.indirect.scatter.add.f32 [tilespmem:s23], [sflag:$0x2], $0x4, s21, s8, $0xb8;
	[tilespmem:$0x7050] =	vst v63  }
0x66: {  	_ =	swait.ge [sflag:s7], $0x1C0  }
0x67: {  	s24 =	rddreg [dreg:$0x1b];
	[sflag:s7] =	ssyncset.done $0x0  }
0x68: {  	s25 =	rddreg [dreg:$0x1c];
	[sflag:s7] =	ssyncadd.s32 $0xFFFFFE40  }
0x69: {  	[spmem:s1] =	stream.indirect.scatter.add.f32 [tilespmem:s25], [sflag:$0x2], $0x4, s24, s8, $0xb8;
	[tilespmem:$0x7050] =	vst v63  }
0x6a: {  	_ =	swait.ge [sflag:s7], $0x1C0  }
0x6b: {  	s26 =	rddreg [dreg:$0x1d];
	[sflag:s7] =	ssyncset.done $0x0  }
0x6c: {  	s0 =	rddreg [dreg:$0x1e];
	[sflag:s7] =	ssyncadd.s32 $0xFFFFFE40  }
0x6d: {  	[spmem:s1] =	stream.indirect.scatter.add.f32 [tilespmem:s0], [sflag:$0x2], $0x4, s26, s8, $0xb8;
	[tilespmem:$0x7050] =	vst v63  }
0x6e: {  	_ =	swait.ge [sflag:s7], $0x1C0  }
0x6f: {  	s13 =	sld [smem:$0x7F3]  }
0x70: {  	[sflag:s7] =	ssyncset.done $0x0  }
0x71: {  	s12 =	rddreg [dreg:$0x1f];
	[sflag:s7] =	ssyncadd.s32 $0xFFFFFE40  }
0x72: {  	[spmem:s1] =	stream.indirect.scatter.add.f32 [tilespmem:s13], [sflag:$0x2], $0x4, s12, s8, $0xb8;
	[tilespmem:$0x7050] =	vst v63  }
0x73: {  	_ =	swait.ge [sflag:s7], $0x1C0  }
0x74: {  	s14 =	sld [smem:$0x7F4]  }
0x75: {  	s15 =	sld [smem:$0x7F5]  }
0x76: {  	[sflag:s7] =	ssyncset.done $0x0  }
0x77: {  	[sflag:s7] =	ssyncadd.s32 $0xFFFFFE40  }
0x78: {  	[spmem:s1] =	stream.indirect.scatter.add.f32 [tilespmem:s15], [sflag:$0x2], $0x4, s14, s8, $0xb8;
	[tilespmem:$0x7050] =	vst v63  }
0x79: {  	_ =	swait.ge [sflag:s7], $0x1C0  }
0x7a: {  	s16 =	sld [smem:$0x7F6]  }
0x7b: {  	s17 =	sld [smem:$0x7F7]  }
0x7c: {  	[sflag:s7] =	ssyncset.done $0x0  }
0x7d: {  	[sflag:s7] =	ssyncadd.s32 $0xFFFFFE40  }
0x7e: {  	[spmem:s1] =	stream.indirect.scatter.add.f32 [tilespmem:s17], [sflag:$0x2], $0x4, s16, s8, $0xb8;
	[tilespmem:$0x7050] =	vst v63  }
0x7f: {  	_ =	swait.ge [sflag:s7], $0x1C0  }
0x80: {  	s18 =	sld [smem:$0x7F8]  }
0x81: {  	s19 =	sld [smem:$0x7F9]  }
0x82: {  	[sflag:s7] =	ssyncset.done $0x0  }
0x83: {  	[sflag:s7] =	ssyncadd.s32 $0xFFFFFE40  }
0x84: {  	[spmem:s1] =	stream.indirect.scatter.add.f32 [tilespmem:s19], [sflag:$0x2], $0x4, s18, s8, $0xb8;
	[tilespmem:$0x7050] =	vst v63  }
0x85: {  	_ =	swait.ge [sflag:s7], $0x1C0  }
0x86: {  	s20 =	sld [smem:$0x7FA]  }
0x87: {  	s21 =	sld [smem:$0x7FB]  }
0x88: {  	[sflag:s7] =	ssyncset.done $0x0  }
0x89: {  	[sflag:s7] =	ssyncadd.s32 $0xFFFFFE40  }
0x8a: {  	[spmem:s1] =	stream.indirect.scatter.add.f32 [tilespmem:s21], [sflag:$0x2], $0x4, s20, s8, $0xb8;
	[tilespmem:$0x7050] =	vst v63  }
0x8b: {  	_ =	swait.ge [sflag:s7], $0x1C0  }
0x8c: {  	s23 =	sld [smem:$0x7FC]  }
0x8d: {  	s24 =	sld [smem:$0x7FD]  }
0x8e: {  	[sflag:s7] =	ssyncset.done $0x0  }
0x8f: {  	[sflag:s7] =	ssyncadd.s32 $0xFFFFFE40  }
0x90: {  	[spmem:s1] =	stream.indirect.scatter.add.f32 [tilespmem:s24], [sflag:$0x2], $0x4, s23, s8, $0xb8;
	[tilespmem:$0x7050] =	vst v63  }
0x91: {  	_ =	swait.ge [sflag:s7], $0x1C0  }
0x92: {  	[sflag:s7] =	ssyncset.done $0x0  }
0x93: {  	s25 =	simm.s32 $0x69E0;
	s26 =	simm.s32 $0x3F00;
	[sflag:s7] =	ssyncadd.s32 $0xFFFFFE40  }
0x94: {  	[spmem:s1] =	stream.indirect.scatter.add.f32 [tilespmem:s26], [sflag:$0x2], $0x4, s25, s8, $0xb8;
	[tilespmem:$0x7050] =	vst v63  }
0x95: {  	_ =	swait.ge [sflag:s7], $0x1C0  }
0x96: {  	[sflag:s7] =	ssyncset.done $0x0  }
0x97: {  	s12 =	simm.s32 $0x6A50;
	s13 =	simm.s32 $0x4280;
	[sflag:s7] =	ssyncadd.s32 $0xFFFFFE40  }
0x98: {  	[spmem:s1] =	stream.indirect.scatter.add.f32 [tilespmem:s13], [sflag:$0x2], $0x4, s12, s8, $0xb8;
	[tilespmem:$0x7050] =	vst v63  }
0x99: {  	_ =	swait.ge [sflag:s7], $0x1C0  }
0x9a: {  	[sflag:s7] =	ssyncset.done $0x0  }
0x9b: {  	s14 =	simm.s32 $0x6AC0;
	s15 =	simm.s32 $0x4600;
	[sflag:s7] =	ssyncadd.s32 $0xFFFFFE40  }
0x9c: {  	[spmem:s1] =	stream.indirect.scatter.add.f32 [tilespmem:s15], [sflag:$0x2], $0x4, s14, s8, $0xb8;
	[tilespmem:$0x7050] =	vst v63  }
0x9d: {  	_ =	swait.ge [sflag:s7], $0x1C0  }
0x9e: {  	[sflag:s7] =	ssyncset.done $0x0  }
0x9f: {  	s16 =	simm.s32 $0x6B30;
	s17 =	simm.s32 $0x4980;
	[sflag:s7] =	ssyncadd.s32 $0xFFFFFE40  }
0xa0: {  	[spmem:s1] =	stream.indirect.scatter.add.f32 [tilespmem:s17], [sflag:$0x2], $0x4, s16, s8, $0xb8;
	[tilespmem:$0x7050] =	vst v63  }
0xa1: {  	_ =	swait.ge [sflag:s7], $0x1C0  }
0xa2: {  	[sflag:s7] =	ssyncset.done $0x0  }
0xa3: {  	s18 =	simm.s32 $0x6BA0;
	s19 =	simm.s32 $0x4D00;
	[sflag:s7] =	ssyncadd.s32 $0xFFFFFE40  }
0xa4: {  	[spmem:s1] =	stream.indirect.scatter.add.f32 [tilespmem:s19], [sflag:$0x2], $0x4, s18, s8, $0xb8;
	[tilespmem:$0x7050] =	vst v63  }
0xa5: {  	_ =	swait.ge [sflag:s7], $0x1C0  }
0xa6: {  	s20 =	simm.s32 $0x6C10;
	[sflag:s7] =	ssyncset.done $0x0  }
0xa7: {  	s21 =	simm.s32 $0x5080;
	s24 =	ssub.s32 $0x2, s22;
	[sflag:s7] =	ssyncadd.s32 $0xFFFFFE40  }
0xa8: {  	[spmem:s1] =	stream.indirect.scatter.add.f32 [tilespmem:s21], [sflag:$0x2], $0x4, s20, s8, $0xb8;
	[tilespmem:$0x7050] =	vst v63  }
0xa9: {  	s25 =	sshrl.u32 s24, $0x1;
	_ =	swait.ge [sflag:s7], $0x1C0  }
0xaa: {  	s22 =	simm.s32 $0x6C80;
	s26 =	ssub.s32 s24, s25;
	[sflag:s7] =	ssyncset.done $0x0  }
0xab: {  	s23 =	simm.s32 $0x5400;
	s26 =	smax.u32 s26, $0x1;
	[sflag:s7] =	ssyncadd.s32 $0xFFFFFE40  }
0xac: {  	[spmem:s1] =	stream.indirect.scatter.add.f32 [tilespmem:s23], [sflag:$0x2], $0x4, s22, s8, $0xb8;
	[tilespmem:$0x7050] =	vst v63  }
0xad: {  	s30 =	sadd.s32 $0xFFFFFFFF, s26;
	_ =	swait.ge [sflag:s7], $0x1C0  }
0xae: {  	s24 =	simm.s32 $0x6CF0;
	p1 =	sne.s32 s30, $0x0;
	[sflag:s7] =	ssyncset.done $0x0  }
.Ltmp0:
0xaf: {  	s25 =	simm.s32 $0x5780;
	[sflag:s7] =	ssyncadd.s32 $0xFFFFFE40;
	(pc) =	sbr.rel @!p1 .LBB2_2-.Ltmp0, $4  }
0xb0: {  	[spmem:s1] =	stream.indirect.scatter.add.f32 [tilespmem:s25], [sflag:$0x2], $0x4, s24, s8, $0xb8;
	[tilespmem:$0x7050] =	vst v63  }
0xb1: {  	s29 =	simm.s32 $0x6D60;
	_ =	swait.ge [sflag:s7], $0x1C0  }
0xb2: {  	s31 =	simm.s32 $0x5B00;
	s28 =	simm.s32 $0x5E80;
	[sflag:s7] =	ssyncset.done $0x0  }
0xb3: {  	s11 =	simm.s32 $0x3F00;
	s26 =	simm.s32 $0x6DD0;
	[sflag:s7] =	ssyncadd.s32 $0xFFFFFE40  }
.LBB2_1:
0xb4: {  	[spmem:s1] =	stream.indirect.scatter.add.f32 [tilespmem:s31], [sflag:$0x2], $0x4, s29, s8, $0xb8;
	[tilespmem:$0x7050] =	vst v63  }
0xb5: {  	_ =	swait.ge [sflag:s7], $0x1C0  }
0xb6: {  	[sflag:s7] =	ssyncset.done $0x0  }
0xb7: {  	[sflag:s7] =	ssyncadd.s32 $0xFFFFFE40  }
0xb8: {  	[spmem:s1] =	stream.indirect.scatter.add.f32 [tilespmem:s28], [sflag:$0x2], $0x4, s26, s8, $0xb8;
	[tilespmem:$0x7050] =	vst v63  }
0xb9: {  	_ =	swait.ge [sflag:s7], $0x1C0  }
0xba: {  	[sflag:s7] =	ssyncset.done $0x0  }
0xbb: {  	[sflag:s7] =	ssyncadd.s32 $0xFFFFFE40  }
0xbc: {  	[bflag:$0x0] =	sbarrier.arrive $0xFFFF  }
0xbd: {  	[tilespmem:s5], [sflag:$0x2] =	stream.linear.gather @!p0 [spmem:s1], $0x200, $0x38;
	[tilespmem:$0x7050] =	vst v63  }
0xbe: {  	_ =	swait.ge @!p0 [sflag:s3], $0x200  }
0xbf: {  	[sflag:s3] =	ssyncset.done @!p0 $0x0  }
0xc0: {  	s0 =	rddreg [dreg:$0x8];
	[sflag:s3] =	ssyncadd.s32 @!p0 $0xFFFFFE00  }
0xc1: {  	[hbm4b:s0+s4] =	stream.linear.scatter @!p0 [tilespmem:s5], [sflag:$0x2], $0x200, $0x38;
	[tilespmem:$0x7050] =	vst v63  }
0xc2: {  	_ =	swait.ge @!p0 [sflag:s3], $0x200  }
0xc3: {  	[sflag:s3] =	ssyncset.done @!p0 $0x0  }
0xc4: {  	s0 =	rddreg [dreg:$0x6];
	[sflag:s3] =	ssyncadd.s32 @!p0 $0xFFFFFE00  }
0xc5: {  	[tilespmem:s2], [sflag:$0x1] =	stream.linear.gather [hbm4b:s0+s2], $0x6200, $0x38;
	[tilespmem:$0x7050] =	vst v63  }
0xc6: {  	s10 =	rddreg [dreg:$0x7]  }
0xc7: {  	[tilespmem:s6], [sflag:$0x1] =	stream.linear.gather [hbm4b:s10+s2], $0xC40, $0x38;
	[tilespmem:$0x7050] =	vst v63  }
0xc8: {  	s0 =	rddreg [dreg:$0x5]  }
0xc9: {  	[tilespmem:s5], [sflag:$0x2] =	stream.linear.gather @!p0 [hbm4b:s0+s4], $0x200, $0x38;
	[tilespmem:$0x7050] =	vst v63  }
0xca: {  	_ =	swait.ge @!p0 [sflag:s3], $0x200  }
0xcb: {  	[sflag:s3] =	ssyncset.done @!p0 $0x0  }
0xcc: {  	[sflag:s3] =	ssyncadd.s32 @!p0 $0xFFFFFE00  }
0xcd: {  	[spmem:s1] =	stream.linear.scatter @!p0 [tilespmem:s5], [sflag:$0x2], $0x200, $0x38;
	[tilespmem:$0x7050] =	vst v63  }
0xce: {  	_ =	swait.ge @!p0 [sflag:s3], $0x200  }
0xcf: {  	[sflag:s3] =	ssyncset.done @!p0 $0x0  }
0xd0: {  	[sflag:s3] =	ssyncadd.s32 @!p0 $0xFFFFFE00  }
0xd1: {  	_ =	swait.ge [sflag:s9], $0x6200  }
0xd2: {  	[sflag:s9] =	ssyncset.done $0x0  }
0xd3: {  	[sflag:s9] =	ssyncadd.s32 $0xFFFF9E00  }
0xd4: {  	_ =	swait.ge [sflag:s9], $0xC40  }
0xd5: {  	[sflag:s9] =	ssyncset.done $0x0  }
0xd6: {  	[sflag:s9] =	ssyncadd.s32 $0xFFFFF3C0  }
0xd7: {  	[bflag:$0x0] =	sbarrier.arrive $0xFFFF  }
0xd8: {  	[spmem:s1] =	stream.indirect.scatter.add.f32 [tilespmem:s2], [sflag:$0x2], $0x4, s6, s8, $0xb8;
	[tilespmem:$0x7050] =	vst v63  }
0xd9: {  	_ =	swait.ge [sflag:s7], $0x1C0  }
0xda: {  	s0 =	rddreg [dreg:$0x9];
	[sflag:s7] =	ssyncset.done $0x0  }
0xdb: {  	s10 =	rddreg [dreg:$0xa];
	[sflag:s7] =	ssyncadd.s32 $0xFFFFFE40  }
0xdc: {  	[spmem:s1] =	stream.indirect.scatter.add.f32 [tilespmem:s10], [sflag:$0x2], $0x4, s0, s8, $0xb8;
	[tilespmem:$0x7050] =	vst v63  }
0xdd: {  	_ =	swait.ge [sflag:s7], $0x1C0  }
0xde: {  	[sflag:s7] =	ssyncset.done $0x0;
	s0 =	rddreg [dreg:$0xb]  }
0xdf: {  	s10 =	rddreg [dreg:$0xc];
	[sflag:s7] =	ssyncadd.s32 $0xFFFFFE40  }
0xe0: {  	[spmem:s1] =	stream.indirect.scatter.add.f32 [tilespmem:s10], [sflag:$0x2], $0x4, s0, s8, $0xb8;
	[tilespmem:$0x7050] =	vst v63  }
0xe1: {  	_ =	swait.ge [sflag:s7], $0x1C0  }
0xe2: {  	[sflag:s7] =	ssyncset.done $0x0;
	s0 =	rddreg [dreg:$0xd]  }
0xe3: {  	s10 =	rddreg [dreg:$0xe];
	[sflag:s7] =	ssyncadd.s32 $0xFFFFFE40  }
0xe4: {  	[spmem:s1] =	stream.indirect.scatter.add.f32 [tilespmem:s10], [sflag:$0x2], $0x4, s0, s8, $0xb8;
	[tilespmem:$0x7050] =	vst v63  }
0xe5: {  	_ =	swait.ge [sflag:s7], $0x1C0  }
0xe6: {  	[sflag:s7] =	ssyncset.done $0x0;
	s0 =	rddreg [dreg:$0xf]  }
0xe7: {  	s10 =	rddreg [dreg:$0x10];
	[sflag:s7] =	ssyncadd.s32 $0xFFFFFE40  }
0xe8: {  	[spmem:s1] =	stream.indirect.scatter.add.f32 [tilespmem:s10], [sflag:$0x2], $0x4, s0, s8, $0xb8;
	[tilespmem:$0x7050] =	vst v63  }
0xe9: {  	_ =	swait.ge [sflag:s7], $0x1C0  }
0xea: {  	[sflag:s7] =	ssyncset.done $0x0;
	s0 =	rddreg [dreg:$0x11]  }
0xeb: {  	s10 =	rddreg [dreg:$0x12];
	[sflag:s7] =	ssyncadd.s32 $0xFFFFFE40  }
0xec: {  	[spmem:s1] =	stream.indirect.scatter.add.f32 [tilespmem:s10], [sflag:$0x2], $0x4, s0, s8, $0xb8;
	[tilespmem:$0x7050] =	vst v63  }
0xed: {  	_ =	swait.ge [sflag:s7], $0x1C0  }
0xee: {  	[sflag:s7] =	ssyncset.done $0x0;
	s0 =	rddreg [dreg:$0x13]  }
0xef: {  	s10 =	rddreg [dreg:$0x14];
	[sflag:s7] =	ssyncadd.s32 $0xFFFFFE40  }
0xf0: {  	[spmem:s1] =	stream.indirect.scatter.add.f32 [tilespmem:s10], [sflag:$0x2], $0x4, s0, s8, $0xb8;
	[tilespmem:$0x7050] =	vst v63  }
0xf1: {  	_ =	swait.ge [sflag:s7], $0x1C0  }
0xf2: {  	[sflag:s7] =	ssyncset.done $0x0;
	s0 =	rddreg [dreg:$0x15]  }
0xf3: {  	s10 =	rddreg [dreg:$0x16];
	[sflag:s7] =	ssyncadd.s32 $0xFFFFFE40  }
0xf4: {  	[spmem:s1] =	stream.indirect.scatter.add.f32 [tilespmem:s10], [sflag:$0x2], $0x4, s0, s8, $0xb8;
	[tilespmem:$0x7050] =	vst v63  }
0xf5: {  	_ =	swait.ge [sflag:s7], $0x1C0  }
0xf6: {  	[sflag:s7] =	ssyncset.done $0x0;
	s0 =	rddreg [dreg:$0x17]  }
0xf7: {  	s10 =	rddreg [dreg:$0x18];
	[sflag:s7] =	ssyncadd.s32 $0xFFFFFE40  }
0xf8: {  	[spmem:s1] =	stream.indirect.scatter.add.f32 [tilespmem:s10], [sflag:$0x2], $0x4, s0, s8, $0xb8;
	[tilespmem:$0x7050] =	vst v63  }
0xf9: {  	_ =	swait.ge [sflag:s7], $0x1C0  }
0xfa: {  	[sflag:s7] =	ssyncset.done $0x0;
	s0 =	rddreg [dreg:$0x19]  }
0xfb: {  	s10 =	rddreg [dreg:$0x1a];
	[sflag:s7] =	ssyncadd.s32 $0xFFFFFE40  }
0xfc: {  	[spmem:s1] =	stream.indirect.scatter.add.f32 [tilespmem:s10], [sflag:$0x2], $0x4, s0, s8, $0xb8;
	[tilespmem:$0x7050] =	vst v63  }
0xfd: {  	_ =	swait.ge [sflag:s7], $0x1C0  }
0xfe: {  	[sflag:s7] =	ssyncset.done $0x0;
	s0 =	rddreg [dreg:$0x1b]  }
0xff: {  	s10 =	rddreg [dreg:$0x1c];
	[sflag:s7] =	ssyncadd.s32 $0xFFFFFE40  }
0x100: {  	[spmem:s1] =	stream.indirect.scatter.add.f32 [tilespmem:s10], [sflag:$0x2], $0x4, s0, s8, $0xb8;
	[tilespmem:$0x7050] =	vst v63  }
0x101: {  	_ =	swait.ge [sflag:s7], $0x1C0  }
0x102: {  	[sflag:s7] =	ssyncset.done $0x0;
	s0 =	rddreg [dreg:$0x1d]  }
0x103: {  	s10 =	rddreg [dreg:$0x1e];
	[sflag:s7] =	ssyncadd.s32 $0xFFFFFE40  }
0x104: {  	[spmem:s1] =	stream.indirect.scatter.add.f32 [tilespmem:s10], [sflag:$0x2], $0x4, s0, s8, $0xb8;
	[tilespmem:$0x7050] =	vst v63  }
0x105: {  	_ =	swait.ge [sflag:s7], $0x1C0  }
0x106: {  	s10 =	sld [smem:$0x7F3]  }
0x107: {  	[sflag:s7] =	ssyncset.done $0x0  }
0x108: {  	s0 =	rddreg [dreg:$0x1f];
	[sflag:s7] =	ssyncadd.s32 $0xFFFFFE40  }
0x109: {  	[spmem:s1] =	stream.indirect.scatter.add.f32 [tilespmem:s10], [sflag:$0x2], $0x4, s0, s8, $0xb8;
	[tilespmem:$0x7050] =	vst v63  }
0x10a: {  	_ =	swait.ge [sflag:s7], $0x1C0  }
0x10b: {  	s0 =	sld [smem:$0x7F4]  }
0x10c: {  	s10 =	sld [smem:$0x7F5]  }
0x10d: {  	[sflag:s7] =	ssyncset.done $0x0  }
0x10e: {  	[sflag:s7] =	ssyncadd.s32 $0xFFFFFE40  }
0x10f: {  	[spmem:s1] =	stream.indirect.scatter.add.f32 [tilespmem:s10], [sflag:$0x2], $0x4, s0, s8, $0xb8;
	[tilespmem:$0x7050] =	vst v63  }
0x110: {  	_ =	swait.ge [sflag:s7], $0x1C0  }
0x111: {  	s0 =	sld [smem:$0x7F6]  }
0x112: {  	s10 =	sld [smem:$0x7F7]  }
0x113: {  	[sflag:s7] =	ssyncset.done $0x0  }
0x114: {  	[sflag:s7] =	ssyncadd.s32 $0xFFFFFE40  }
0x115: {  	[spmem:s1] =	stream.indirect.scatter.add.f32 [tilespmem:s10], [sflag:$0x2], $0x4, s0, s8, $0xb8;
	[tilespmem:$0x7050] =	vst v63  }
0x116: {  	_ =	swait.ge [sflag:s7], $0x1C0  }
0x117: {  	s0 =	sld [smem:$0x7F8]  }
0x118: {  	s10 =	sld [smem:$0x7F9]  }
0x119: {  	[sflag:s7] =	ssyncset.done $0x0  }
0x11a: {  	[sflag:s7] =	ssyncadd.s32 $0xFFFFFE40  }
0x11b: {  	[spmem:s1] =	stream.indirect.scatter.add.f32 [tilespmem:s10], [sflag:$0x2], $0x4, s0, s8, $0xb8;
	[tilespmem:$0x7050] =	vst v63  }
0x11c: {  	_ =	swait.ge [sflag:s7], $0x1C0  }
0x11d: {  	s0 =	sld [smem:$0x7FA]  }
0x11e: {  	s10 =	sld [smem:$0x7FB]  }
0x11f: {  	[sflag:s7] =	ssyncset.done $0x0  }
0x120: {  	[sflag:s7] =	ssyncadd.s32 $0xFFFFFE40  }
0x121: {  	[spmem:s1] =	stream.indirect.scatter.add.f32 [tilespmem:s10], [sflag:$0x2], $0x4, s0, s8, $0xb8;
	[tilespmem:$0x7050] =	vst v63  }
0x122: {  	_ =	swait.ge [sflag:s7], $0x1C0  }
0x123: {  	s0 =	sld [smem:$0x7FC]  }
0x124: {  	s10 =	sld [smem:$0x7FD]  }
0x125: {  	[sflag:s7] =	ssyncset.done $0x0  }
0x126: {  	[sflag:s7] =	ssyncadd.s32 $0xFFFFFE40  }
0x127: {  	[spmem:s1] =	stream.indirect.scatter.add.f32 [tilespmem:s10], [sflag:$0x2], $0x4, s0, s8, $0xb8;
	[tilespmem:$0x7050] =	vst v63  }
0x128: {  	_ =	swait.ge [sflag:s7], $0x1C0  }
0x129: {  	[sflag:s7] =	ssyncset.done $0x0  }
0x12a: {  	s10 =	simm.s32 $0x69E0;
	[sflag:s7] =	ssyncadd.s32 $0xFFFFFE40  }
0x12b: {  	[spmem:s1] =	stream.indirect.scatter.add.f32 [tilespmem:s11], [sflag:$0x2], $0x4, s10, s8, $0xb8;
	[tilespmem:$0x7050] =	vst v63  }
0x12c: {  	_ =	swait.ge [sflag:s7], $0x1C0  }
0x12d: {  	[sflag:s7] =	ssyncset.done $0x0  }
0x12e: {  	[sflag:s7] =	ssyncadd.s32 $0xFFFFFE40  }
0x12f: {  	[spmem:s1] =	stream.indirect.scatter.add.f32 [tilespmem:s13], [sflag:$0x2], $0x4, s12, s8, $0xb8;
	[tilespmem:$0x7050] =	vst v63  }
0x130: {  	_ =	swait.ge [sflag:s7], $0x1C0  }
0x131: {  	[sflag:s7] =	ssyncset.done $0x0  }
0x132: {  	[sflag:s7] =	ssyncadd.s32 $0xFFFFFE40  }
0x133: {  	[spmem:s1] =	stream.indirect.scatter.add.f32 [tilespmem:s15], [sflag:$0x2], $0x4, s14, s8, $0xb8;
	[tilespmem:$0x7050] =	vst v63  }
0x134: {  	_ =	swait.ge [sflag:s7], $0x1C0  }
0x135: {  	[sflag:s7] =	ssyncset.done $0x0  }
0x136: {  	[sflag:s7] =	ssyncadd.s32 $0xFFFFFE40  }
0x137: {  	[spmem:s1] =	stream.indirect.scatter.add.f32 [tilespmem:s17], [sflag:$0x2], $0x4, s16, s8, $0xb8;
	[tilespmem:$0x7050] =	vst v63  }
0x138: {  	_ =	swait.ge [sflag:s7], $0x1C0  }
0x139: {  	[sflag:s7] =	ssyncset.done $0x0  }
0x13a: {  	[sflag:s7] =	ssyncadd.s32 $0xFFFFFE40  }
0x13b: {  	[spmem:s1] =	stream.indirect.scatter.add.f32 [tilespmem:s19], [sflag:$0x2], $0x4, s18, s8, $0xb8;
	[tilespmem:$0x7050] =	vst v63  }
0x13c: {  	_ =	swait.ge [sflag:s7], $0x1C0  }
0x13d: {  	[sflag:s7] =	ssyncset.done $0x0  }
0x13e: {  	[sflag:s7] =	ssyncadd.s32 $0xFFFFFE40  }
0x13f: {  	[spmem:s1] =	stream.indirect.scatter.add.f32 [tilespmem:s21], [sflag:$0x2], $0x4, s20, s8, $0xb8;
	[tilespmem:$0x7050] =	vst v63  }
0x140: {  	_ =	swait.ge [sflag:s7], $0x1C0  }
0x141: {  	[sflag:s7] =	ssyncset.done $0x0  }
0x142: {  	[sflag:s7] =	ssyncadd.s32 $0xFFFFFE40  }
0x143: {  	[spmem:s1] =	stream.indirect.scatter.add.f32 [tilespmem:s23], [sflag:$0x2], $0x4, s22, s8, $0xb8;
	[tilespmem:$0x7050] =	vst v63  }
0x144: {  	s30 =	sadd.s32 $0xFFFFFFFF, s30;
	_ =	swait.ge [sflag:s7], $0x1C0  }
0x145: {  	p1 =	sne.s32 s30, $0x0;
	[sflag:s7] =	ssyncset.done $0x0  }
.Ltmp1:
0x146: {  	[sflag:s7] =	ssyncadd.s32 $0xFFFFFE40;
	(pc) =	sbr.rel @p1 .LBB2_1-.Ltmp1, $4  }
0x147: {  	[spmem:s1] =	stream.indirect.scatter.add.f32 [tilespmem:s25], [sflag:$0x2], $0x4, s24, s8, $0xb8;
	[tilespmem:$0x7050] =	vst v63  }
0x148: {  	_ =	swait.ge [sflag:s7], $0x1C0  }
0x149: {  	[sflag:s7] =	ssyncset.done $0x0  }
0x14a: {  	[sflag:s7] =	ssyncadd.s32 $0xFFFFFE40  }
.LBB2_2:
0x14b: {  	[spmem:s1] =	stream.indirect.scatter.add.f32 [tilespmem:s31], [sflag:$0x2], $0x4, s29, s8, $0xb8;
	[tilespmem:$0x7050] =	vst v63  }
0x14c: {  	_ =	swait.ge [sflag:s7], $0x1C0  }
0x14d: {  	[sflag:s7] =	ssyncset.done $0x0  }
0x14e: {  	[sflag:s7] =	ssyncadd.s32 $0xFFFFFE40  }
0x14f: {  	[spmem:s1] =	stream.indirect.scatter.add.f32 [tilespmem:s28], [sflag:$0x2], $0x4, s26, s8, $0xb8;
	[tilespmem:$0x7050] =	vst v63  }
0x150: {  	_ =	swait.ge [sflag:s7], $0x1C0  }
0x151: {  	[sflag:s7] =	ssyncset.done $0x0  }
0x152: {  	[sflag:s7] =	ssyncadd.s32 $0xFFFFFE40  }
0x153: {  	[bflag:$0x0] =	sbarrier.arrive $0xFFFF  }
0x154: {  	[tilespmem:s5], [sflag:$0x2] =	stream.linear.gather @!p0 [spmem:s1], $0x200, $0x38;
	[tilespmem:$0x7050] =	vst v63  }
0x155: {  	_ =	swait.ge @!p0 [sflag:s3], $0x200  }
0x156: {  	[sflag:s3] =	ssyncset.done @!p0 $0x0  }
0x157: {  	s0 =	rddreg [dreg:$0x8];
	[sflag:s3] =	ssyncadd.s32 @!p0 $0xFFFFFE00  }
0x158: {  	[hbm4b:s0+s4] =	stream.linear.scatter @!p0 [tilespmem:s5], [sflag:$0x2], $0x200, $0x38;
	[tilespmem:$0x7050] =	vst v63  }
0x159: {  	_ =	swait.ge @!p0 [sflag:s3], $0x200  }
0x15a: {  	[sflag:s3] =	ssyncset.done @!p0 $0x0  }
0x15b: {  	[sflag:s3] =	ssyncadd.s32 @!p0 $0xFFFFFE00  }
0x15c: {  	_ =	sfence.sel $0x180000  }
0x15d: {  	[bflag:$0x0] =	sbarrier.arrive $0xFFFF  }
0x15e: {  	_ =	strace $0x90000047  }
0x15f: {  	[bflag:$0x2] =	sbarrier.arrive $0xFFFF  }
0x160: {  	s0 =	rddreg [dreg:$0x4]  }
0x161: {  	s0 =	sadd.s32 @!p0 $0x100000, s0  }
0x162: {  	[sflag:s0] =	ssyncadd.tile.s32 @!p0 $0x1;
	_ =	shalt  }
.Lfunc_end2:
_tile_overlayer_lowered:
.L_overlay_start_2:
0x163: {  	(tag) =	ssettag $0x2  }
0x164: {  	s0 =	rddreg [dreg:$0x0];
	s2 =	stileid.u32  }
0x165: {  	s1 =	rddreg [dreg:$0x1];
	p0 =	sne.s32 s2, $0x0  }
0x166: {  	s3 =	rddreg [dreg:$0x2];
	[bflag:$0x3] =	sbarrier.arrive $0xFFFF;
	s2 =	simm.s32 @!p0 $0x1C02  }
0x167: {  	[timem:s3], [sflag:s2] =	dma.local @!p0 [hbm:s0], s1  }
0x168: {  	s0 =	simm.s32 @!p0 $0x2  }
0x169: {  	_ =	swait.ge @!p0 [sflag:s0], s1  }
0x16a: {  	s1 =	ssub.s32 @!p0 $0x0, s1;
	[sflag:s0] =	ssyncset.done @!p0 $0x0  }
0x16b: {  	[sflag:s0] =	ssyncadd.s32 @!p0 s1  }
0x16c: {  	[bflag:$0x3] =	sbarrier.arrive $0xFFFF  }
0x16d: {  	_ =	shalt  }

</sc_bundles>
